<compile_context>
chip_gen: v7x
topology: tpu7x:2x2x1
jax: 0.10.2.dev20260603
libtpu: 0.0.44.dev20260713+nightly
codegen_flags: <defaults>
</compile_context>

<pallas_src>
import functools

import jax
import jax.numpy as jnp
from jax import lax
from jax.experimental import pallas as pl
from jax.experimental.pallas import tpu as pltpu
from jax.experimental.pallas import tpu_sc as plsc

N = 10000
E = 320000
D_IN = 128
D_HID = 64
N_CLS = 32

NC = 2
NS = 16
NW = NC * NS
CHUNK = 128
C = 81
E_PAD = NW * C * CHUNK
NACC = 10112
DUMMY = N
STAGE_T = 10
HS_PT = N // STAGE_T
ACC_PT = NACC // NS
DEG_W = 8

_mesh = plsc.VectorSubcoreMesh(core_axis_name="c", subcore_axis_name="s")
_sc_params = pltpu.CompilerParams(use_tc_tiling_on_sc=False)


def _deg_body(dst_hbm, ones_hbm, zeros_hbm, out_hbm, dstv, onesv, ssem, deg_sh):
  cid = lax.axis_index("c")
  sid = lax.axis_index("s")
  wid = cid * NS + sid
  pltpu.async_copy(ones_hbm, onesv, ssem)
  pltpu.async_copy(zeros_hbm.at[pl.ds(sid * ACC_PT, ACC_PT)],
                   deg_sh.at[pl.ds(sid * ACC_PT, ACC_PT)], ssem)
  pltpu.async_copy(dst_hbm.at[pl.ds(wid * C, C)], dstv, ssem)
  pltpu.make_async_copy(ones_hbm, onesv, ssem).wait()
  pltpu.make_async_copy(zeros_hbm.at[pl.ds(sid * ACC_PT, ACC_PT)],
                        deg_sh.at[pl.ds(sid * ACC_PT, ACC_PT)], ssem).wait()
  pltpu.make_async_copy(dst_hbm.at[pl.ds(wid * C, C)], dstv, ssem).wait()
  plsc.subcore_barrier()

  def fire(j, carry):
    pltpu.async_copy(onesv, deg_sh.at[dstv.at[j]], ssem, add=True)
    return carry

  def drain(j, carry):
    pltpu.make_async_copy(onesv, deg_sh.at[dstv.at[0]], ssem).wait()
    return carry

  lax.fori_loop(0, C, fire, 0)
  lax.fori_loop(0, C, drain, 0)
  plsc.subcore_barrier()
  pltpu.sync_copy(deg_sh.at[pl.ds(sid * ACC_PT, ACC_PT)],
                  out_hbm.at[cid, pl.ds(sid * ACC_PT, ACC_PT)])


_deg_kernel = functools.partial(
    pl.kernel,
    _deg_body,
    out_type=jax.ShapeDtypeStruct((NC, NACC), jnp.float32),
    mesh=_mesh,
    compiler_params=_sc_params,
    scratch_types=[
        pltpu.VMEM((C, CHUNK), jnp.int32),
        pltpu.VMEM((CHUNK,), jnp.float32),
        pltpu.SemaphoreType.DMA,
        pltpu.VMEM_SHARED((NACC,), jnp.float32),
    ],
)


def _agg_body(d, hs_hbm, src_hbm, dst_hbm, zeros_hbm, out_hbm,
              srcv, dstv, m0, m1, m2,
              g0, g1, g2, s0, s1, s2, hs_sh, acc_sh):
  cid = lax.axis_index("c")
  sid = lax.axis_index("s")
  wid = cid * NS + sid
  @pl.when(sid < STAGE_T)
  def _():
    pltpu.async_copy(hs_hbm.at[pl.ds(sid * HS_PT, HS_PT)],
                     hs_sh.at[pl.ds(sid * HS_PT, HS_PT)], g0)

  pltpu.async_copy(zeros_hbm.at[pl.ds(sid * ACC_PT, ACC_PT)],
                   acc_sh.at[pl.ds(sid * ACC_PT, ACC_PT)], g0)
  pltpu.async_copy(src_hbm.at[pl.ds(wid * C, C)], srcv, g0)
  pltpu.async_copy(dst_hbm.at[pl.ds(wid * C, C)], dstv, g0)

  @pl.when(sid < STAGE_T)
  def _():
    pltpu.make_async_copy(hs_hbm.at[pl.ds(sid * HS_PT, HS_PT)],
                          hs_sh.at[pl.ds(sid * HS_PT, HS_PT)], g0).wait()

  pltpu.make_async_copy(zeros_hbm.at[pl.ds(sid * ACC_PT, ACC_PT)],
                        acc_sh.at[pl.ds(sid * ACC_PT, ACC_PT)], g0).wait()
  pltpu.make_async_copy(src_hbm.at[pl.ds(wid * C, C)], srcv, g0).wait()
  pltpu.make_async_copy(dst_hbm.at[pl.ds(wid * C, C)], dstv, g0).wait()
  plsc.subcore_barrier()

  bufs = (m0, m1, m2)
  gsems = (g0, g1, g2)
  ssems = (s0, s1, s2)

  def _fire_g(j, t):
    pltpu.async_copy(hs_sh.at[srcv.at[j]], bufs[t], gsems[t])

  def _wait_g(t):
    pltpu.make_async_copy(hs_sh.at[srcv.at[0]], bufs[t], gsems[t]).wait()

  def _fire_s(j, t):
    pltpu.async_copy(bufs[t], acc_sh.at[dstv.at[j]], ssems[t], add=True)

  def _wait_s(t):
    pltpu.make_async_copy(bufs[t], acc_sh.at[dstv.at[0]], ssems[t]).wait()

  _fire_g(0, 0)
  _fire_g(1, 1)

  def step(k, carry):
    for t in range(3):
      j = 3 * k + t
      _wait_g(t)
      _fire_s(j, t)
      t2 = (t + 2) % 3

      @pl.when(j + 2 < C)
      def _():
        @pl.when(j >= 1)
        def _():
          _wait_s(t2)

        _fire_g(j + 2, t2)

    return carry

  lax.fori_loop(0, C // 3, step, 0)
  for t in range(3):
    _wait_s(t)
  plsc.subcore_barrier()
  pltpu.sync_copy(acc_sh.at[pl.ds(sid * ACC_PT, ACC_PT)],
                  out_hbm.at[cid, pl.ds(sid * ACC_PT, ACC_PT)])


def _make_agg(d):
  return functools.partial(
      pl.kernel,
      functools.partial(_agg_body, d),
      out_type=jax.ShapeDtypeStruct((NC, NACC, d), jnp.float32),
      mesh=_mesh,
      compiler_params=_sc_params,
      scratch_types=[
          pltpu.VMEM((C, CHUNK), jnp.int32),
          pltpu.VMEM((C, CHUNK), jnp.int32),
          pltpu.VMEM((CHUNK, d), jnp.float32),
          pltpu.VMEM((CHUNK, d), jnp.float32),
          pltpu.VMEM((CHUNK, d), jnp.float32),
          pltpu.SemaphoreType.DMA,
          pltpu.SemaphoreType.DMA,
          pltpu.SemaphoreType.DMA,
          pltpu.SemaphoreType.DMA,
          pltpu.SemaphoreType.DMA,
          pltpu.SemaphoreType.DMA,
          pltpu.VMEM_SHARED((N, d), jnp.float32),
          pltpu.VMEM_SHARED((NACC, d), jnp.float32),
      ],
  )


_agg64 = _make_agg(D_HID)
_agg32 = _make_agg(N_CLS)


_RB = 1024
_GRID = -(-N // _RB)


def _tc1_body(degw_ref, x_ref, w1_ref, hs1_ref, dinv_ref):
  deg = degw_ref[0, :] + degw_ref[1, :] + 1.0
  dinv = lax.rsqrt(deg)[:, None]
  dinv_ref[...] = jnp.broadcast_to(dinv, (dinv.shape[0], DEG_W))
  h = jnp.dot(x_ref[...], w1_ref[...], preferred_element_type=jnp.float32)
  hs1_ref[...] = h * dinv


def _tc1(degw, x, w1):
  return pl.pallas_call(
      _tc1_body,
      grid=(_GRID,),
      in_specs=[
          pl.BlockSpec((NC, _RB), lambda j: (0, j)),
          pl.BlockSpec((_RB, D_IN), lambda j: (j, 0)),
          pl.BlockSpec((D_IN, D_HID), lambda j: (0, 0)),
      ],
      out_specs=[
          pl.BlockSpec((_RB, D_HID), lambda j: (j, 0)),
          pl.BlockSpec((_RB, DEG_W), lambda j: (j, 0)),
      ],
      out_shape=[
          jax.ShapeDtypeStruct((N, D_HID), jnp.float32),
          jax.ShapeDtypeStruct((N, DEG_W), jnp.float32),
      ],
  )(degw, x, w1)


def _tc2_body(acc_ref, hs1_ref, dinv_ref, b1_ref, w2_ref, hs2_ref):
  s = acc_ref[0, :, :] + acc_ref[1, :, :] + hs1_ref[...]
  dinv = dinv_ref[:, 0:1]
  t = s * dinv + b1_ref[...]
  r = jnp.maximum(t, 0.0)
  h2 = jnp.dot(r, w2_ref[...], preferred_element_type=jnp.float32)
  hs2_ref[...] = h2 * dinv


def _tc2(acc1, hs1, dinv, b1, w2):
  return pl.pallas_call(
      _tc2_body,
      grid=(_GRID,),
      in_specs=[
          pl.BlockSpec((NC, _RB, D_HID), lambda j: (0, j, 0)),
          pl.BlockSpec((_RB, D_HID), lambda j: (j, 0)),
          pl.BlockSpec((_RB, DEG_W), lambda j: (j, 0)),
          pl.BlockSpec((1, D_HID), lambda j: (0, 0)),
          pl.BlockSpec((D_HID, N_CLS), lambda j: (0, 0)),
      ],
      out_specs=pl.BlockSpec((_RB, N_CLS), lambda j: (j, 0)),
      out_shape=jax.ShapeDtypeStruct((N, N_CLS), jnp.float32),
  )(acc1, hs1, dinv, b1, w2)


def _tc3_body(acc_ref, hs2_ref, dinv_ref, b2_ref, out_ref):
  s = acc_ref[0, :, :] + acc_ref[1, :, :] + hs2_ref[...]
  t = s * dinv_ref[:, 0:1] + b2_ref[...]
  m = jnp.max(t, axis=1, keepdims=True)
  e = jnp.exp(t - m)
  lse = jnp.log(jnp.sum(e, axis=1, keepdims=True))
  out_ref[...] = t - m - lse


def _tc3(acc2, hs2, dinv, b2):
  return pl.pallas_call(
      _tc3_body,
      grid=(_GRID,),
      in_specs=[
          pl.BlockSpec((NC, _RB, N_CLS), lambda j: (0, j, 0)),
          pl.BlockSpec((_RB, N_CLS), lambda j: (j, 0)),
          pl.BlockSpec((_RB, DEG_W), lambda j: (j, 0)),
          pl.BlockSpec((1, N_CLS), lambda j: (0, 0)),
      ],
      out_specs=pl.BlockSpec((_RB, N_CLS), lambda j: (j, 0)),
      out_shape=jax.ShapeDtypeStruct((N, N_CLS), jnp.float32),
  )(acc2, hs2, dinv, b2)


@jax.jit
def kernel(x, edge_index, W1, b1, W2, b2):
  pad = E_PAD - E
  src = jnp.concatenate([edge_index[0], jnp.zeros((pad,), jnp.int32)])
  dst = jnp.concatenate([edge_index[1], jnp.full((pad,), DUMMY, jnp.int32)])
  src2d = src.reshape(NW * C, CHUNK)
  dst2d = dst.reshape(NW * C, CHUNK)

  ones_w = jnp.ones((CHUNK,), jnp.float32)
  zeros_w = jnp.zeros((NACC,), jnp.float32)
  zeros64 = jnp.zeros((NACC, D_HID), jnp.float32)
  zeros32 = jnp.zeros((NACC, N_CLS), jnp.float32)

  degw = _deg_kernel()(dst2d, ones_w, zeros_w)
  hs1, dinv = _tc1(degw, x, W1)
  acc1 = _agg64()(hs1, src2d, dst2d, zeros64)
  hs2 = _tc2(acc1, hs1, dinv, b1.reshape(1, D_HID), W2)
  acc2 = _agg32()(hs2, src2d, dst2d, zeros32)
  return _tc3(acc2, hs2, dinv, b2.reshape(1, N_CLS))

# --- scband reference (transcript-rebuilt; emitter-appended) ---
"""Pipeline reference for scband-gcn-18133351924450 (READ-ONLY COPY).

The authoritative reference and input builder live on the scoring server;
editing this copy changes nothing except your own understanding.
"""

import jax, jax.numpy as jnp
import numpy as np

N_NODES = 10000
N_EDGES = 320000
D_IN = 128
D_HID = 64
N_CLASSES = 32


def setup_inputs(seed: int = 0) -> dict:
    key = jax.random.key(seed)
    k1, k2, k3, k4, k5, k6 = jax.random.split(key, 6)
    x = jax.random.normal(k1, (N_NODES, D_IN), dtype=jnp.float32)
    edge_index = jax.random.randint(k2, (2, N_EDGES), 0, N_NODES, dtype=jnp.int32)
    # GCNConv weights (glorot-style scaling) and biases
    W1 = jax.random.normal(k3, (D_IN, D_HID), dtype=jnp.float32) * jnp.sqrt(2.0 / (D_IN + D_HID))
    b1 = jnp.zeros((D_HID,), dtype=jnp.float32)
    W2 = jax.random.normal(k4, (D_HID, N_CLASSES), dtype=jnp.float32) * jnp.sqrt(2.0 / (D_HID + N_CLASSES))
    b2 = jnp.zeros((N_CLASSES,), dtype=jnp.float32)
    return {"x": x, "edge_index": edge_index, "W1": W1, "b1": b1, "W2": W2, "b2": b2}


def reference(x, edge_index, W1, b1, W2, b2):
    n = x.shape[0]
    loop = jnp.arange(n, dtype=edge_index.dtype)
    src = jnp.concatenate([edge_index[0], loop])
    dst = jnp.concatenate([edge_index[1], loop])
    # symmetric normalization D^{-1/2} (A + I) D^{-1/2}
    deg = jnp.zeros((n,), dtype=x.dtype).at[dst].add(1.0)
    dinv = jnp.where(deg > 0, 1.0 / jnp.sqrt(deg), 0.0)
    norm = dinv[src] * dinv[dst]

    def gcn_conv(h, W, b):
        h = h @ W
        msg = h[src] * norm[:, None]
        out = jnp.zeros((n, h.shape[1]), dtype=h.dtype).at[dst].add(msg)
        return out + b

    h = gcn_conv(x, W1, b1)
    h = jax.nn.relu(h)
    # F.dropout with training=False is identity in eval mode
    h = gcn_conv(h, W2, b2)
    return jax.nn.log_softmax(h, axis=1)

if __name__ == "__main__":
    import jax
    _d = setup_inputs()
    print(jax.jit(kernel)(*tuple(_d.values())))

</pallas_src>

<mosaic_0001>
#map = affine_map<(d0, d1) -> (0, 0)>
#map1 = affine_map<(d0, d1) -> (0, 0, 0)>
module attributes {stable_mosaic.version = 14 : i64} {
  func.func @_agg_body(%arg0: i32, %arg1: i32, %arg2: memref<10000x32xf32, #tpu.memory_space<hbm>>, %arg3: memref<2592x128xi32, #tpu.memory_space<hbm>>, %arg4: memref<2592x128xi32, #tpu.memory_space<hbm>>, %arg5: memref<10112x32xf32, #tpu.memory_space<hbm>>, %arg6: memref<2x10112x32xf32, #tpu.memory_space<hbm>>, %arg7: memref<81x128xi32, #tpu.memory_space<vmem>>, %arg8: memref<81x128xi32, #tpu.memory_space<vmem>>, %arg9: memref<128x32xf32, #tpu.memory_space<vmem>>, %arg10: memref<128x32xf32, #tpu.memory_space<vmem>>, %arg11: memref<128x32xf32, #tpu.memory_space<vmem>>, %arg12: memref<!tpu.dma_semaphore, #tpu.memory_space<semaphore_mem>>, %arg13: memref<!tpu.dma_semaphore, #tpu.memory_space<semaphore_mem>>, %arg14: memref<!tpu.dma_semaphore, #tpu.memory_space<semaphore_mem>>, %arg15: memref<!tpu.dma_semaphore, #tpu.memory_space<semaphore_mem>>, %arg16: memref<!tpu.dma_semaphore, #tpu.memory_space<semaphore_mem>>, %arg17: memref<!tpu.dma_semaphore, #tpu.memory_space<semaphore_mem>>, %arg18: memref<10000x32xf32, #tpu.memory_space<vmem_shared>>, %arg19: memref<10112x32xf32, #tpu.memory_space<vmem_shared>>) attributes {dimension_semantics = [#tpu.dimension_semantics<core_parallel>, #tpu.dimension_semantics<subcore_parallel>], iteration_bounds = array<i64: 2, 16>, scalar_prefetch = 0 : i64, scratch_operands = 13 : i64, tpu.core_type = #tpu.core_type<sc_vector_subcore>, window_params = [{transform_indices = #map}, {transform_indices = #map}, {transform_indices = #map}, {transform_indices = #map}, {transform_indices = #map1}]} {
    %mul3A = arith.constant 16 : i32
    %mul3A_0 = arith.muli %arg0, %mul3A : i32
    %add3A = arith.addi %mul3A_0, %arg1 : i32
    %lt3A = arith.constant 10 : i32
    %lt3A_1 = arith.cmpi slt, %arg1, %lt3A : i32
    %convert_element_type3A = arith.extui %lt3A_1 : i1 to i32
    %cond3A = arith.constant 0 : i32
    %cond3A_2 = arith.cmpi ne, %convert_element_type3A, %cond3A : i32
    scf.if %cond3A_2 {
      %mul3A_91 = arith.constant 1000 : i32
      %mul3A_92 = arith.muli %arg1, %mul3A_91 : i32
      %mul3A_93 = arith.constant 1000 : i32
      %mul3A_94 = arith.muli %arg1, %mul3A_93 : i32
      %dma_start3A_95 = arith.constant 0 : i32
      %dma_start3A_96 = tpu.memref_slice %arg18[%mul3A_94, %dma_start3A_95] : memref<10000x32xf32, #tpu.memory_space<vmem_shared>> -> memref<1000x32xf32, #tpu.memory_space<vmem_shared>>
      %dma_start3A_97 = arith.constant 0 : i32
      %dma_start3A_98 = tpu.memref_slice %arg2[%mul3A_92, %dma_start3A_97] : memref<10000x32xf32, #tpu.memory_space<hbm>> -> memref<1000x32xf32, #tpu.memory_space<hbm>>
      tpu.enqueue_dma source(%dma_start3A_98 : memref<1000x32xf32, #tpu.memory_space<hbm>>) target(%dma_start3A_96 : memref<1000x32xf32, #tpu.memory_space<vmem_shared>>) target_semaphore(%arg12 : memref<!tpu.dma_semaphore, #tpu.memory_space<semaphore_mem>>)
    } else {
    }
    %mul3A_3 = arith.constant 632 : i32
    %mul3A_4 = arith.muli %arg1, %mul3A_3 : i32
    %mul3A_5 = arith.constant 632 : i32
    %mul3A_6 = arith.muli %arg1, %mul3A_5 : i32
    %dma_start3A = arith.constant 0 : i32
    %dma_start3A_7 = tpu.memref_slice %arg19[%mul3A_6, %dma_start3A] : memref<10112x32xf32, #tpu.memory_space<vmem_shared>> -> memref<632x32xf32, #tpu.memory_space<vmem_shared>>
    %dma_start3A_8 = arith.constant 0 : i32
    %dma_start3A_9 = tpu.memref_slice %arg5[%mul3A_4, %dma_start3A_8] : memref<10112x32xf32, #tpu.memory_space<hbm>> -> memref<632x32xf32, #tpu.memory_space<hbm>>
    tpu.enqueue_dma source(%dma_start3A_9 : memref<632x32xf32, #tpu.memory_space<hbm>>) target(%dma_start3A_7 : memref<632x32xf32, #tpu.memory_space<vmem_shared>>) target_semaphore(%arg12 : memref<!tpu.dma_semaphore, #tpu.memory_space<semaphore_mem>>)
    %mul3A_10 = arith.constant 81 : i32
    %mul3A_11 = arith.muli %add3A, %mul3A_10 : i32
    %dma_start3A_12 = arith.constant 0 : i32
    %dma_start3A_13 = tpu.memref_slice %arg3[%mul3A_11, %dma_start3A_12] : memref<2592x128xi32, #tpu.memory_space<hbm>> -> memref<81x128xi32, #tpu.memory_space<hbm>>
    %dma_start3A_14 = arith.constant 0 : i32
    %dma_start3A_15 = tpu.memref_slice %arg3[%mul3A_11, %dma_start3A_14] : memref<2592x128xi32, #tpu.memory_space<hbm>> -> memref<81x128xi32, #tpu.memory_space<hbm>>
    tpu.enqueue_dma source(%dma_start3A_15 : memref<81x128xi32, #tpu.memory_space<hbm>>) target(%arg7 : memref<81x128xi32, #tpu.memory_space<vmem>>) target_semaphore(%arg12 : memref<!tpu.dma_semaphore, #tpu.memory_space<semaphore_mem>>)
    %mul3A_16 = arith.constant 81 : i32
    %mul3A_17 = arith.muli %add3A, %mul3A_16 : i32
    %dma_start3A_18 = arith.constant 0 : i32
    %dma_start3A_19 = tpu.memref_slice %arg4[%mul3A_17, %dma_start3A_18] : memref<2592x128xi32, #tpu.memory_space<hbm>> -> memref<81x128xi32, #tpu.memory_space<hbm>>
    %dma_start3A_20 = arith.constant 0 : i32
    %dma_start3A_21 = tpu.memref_slice %arg4[%mul3A_17, %dma_start3A_20] : memref<2592x128xi32, #tpu.memory_space<hbm>> -> memref<81x128xi32, #tpu.memory_space<hbm>>
    tpu.enqueue_dma source(%dma_start3A_21 : memref<81x128xi32, #tpu.memory_space<hbm>>) target(%arg8 : memref<81x128xi32, #tpu.memory_space<vmem>>) target_semaphore(%arg12 : memref<!tpu.dma_semaphore, #tpu.memory_space<semaphore_mem>>)
    %lt3A_22 = arith.constant 10 : i32
    %lt3A_23 = arith.cmpi slt, %arg1, %lt3A_22 : i32
    %convert_element_type3A_24 = arith.extui %lt3A_23 : i1 to i32
    %cond3A_25 = arith.constant 0 : i32
    %cond3A_26 = arith.cmpi ne, %convert_element_type3A_24, %cond3A_25 : i32
    scf.if %cond3A_26 {
      %mul3A_91 = arith.constant 1000 : i32
      %mul3A_92 = arith.muli %arg1, %mul3A_91 : i32
      %mul3A_93 = arith.constant 1000 : i32
      %mul3A_94 = arith.muli %arg1, %mul3A_93 : i32
      %dma_wait3A_95 = arith.constant 0 : i32
      %dma_wait3A_96 = tpu.memref_slice %arg18[%mul3A_94, %dma_wait3A_95] : memref<10000x32xf32, #tpu.memory_space<vmem_shared>> -> memref<1000x32xf32, #tpu.memory_space<vmem_shared>>
      %dma_wait3A_97 = arith.constant 0 : i32
      %dma_wait3A_98 = tpu.memref_slice %arg2[%mul3A_92, %dma_wait3A_97] : memref<10000x32xf32, #tpu.memory_space<hbm>> -> memref<1000x32xf32, #tpu.memory_space<hbm>>
      tpu.wait_dma2 semaphore(%arg12 : memref<!tpu.dma_semaphore, #tpu.memory_space<semaphore_mem>>) src(%dma_wait3A_98 : memref<1000x32xf32, #tpu.memory_space<hbm>>) dst(%dma_wait3A_96 : memref<1000x32xf32, #tpu.memory_space<vmem_shared>>)
    } else {
    }
    %mul3A_27 = arith.constant 632 : i32
    %mul3A_28 = arith.muli %arg1, %mul3A_27 : i32
    %mul3A_29 = arith.constant 632 : i32
    %mul3A_30 = arith.muli %arg1, %mul3A_29 : i32
    %dma_wait3A = arith.constant 0 : i32
    %dma_wait3A_31 = tpu.memref_slice %arg19[%mul3A_30, %dma_wait3A] : memref<10112x32xf32, #tpu.memory_space<vmem_shared>> -> memref<632x32xf32, #tpu.memory_space<vmem_shared>>
    %dma_wait3A_32 = arith.constant 0 : i32
    %dma_wait3A_33 = tpu.memref_slice %arg5[%mul3A_28, %dma_wait3A_32] : memref<10112x32xf32, #tpu.memory_space<hbm>> -> memref<632x32xf32, #tpu.memory_space<hbm>>
    tpu.wait_dma2 semaphore(%arg12 : memref<!tpu.dma_semaphore, #tpu.memory_space<semaphore_mem>>) src(%dma_wait3A_33 : memref<632x32xf32, #tpu.memory_space<hbm>>) dst(%dma_wait3A_31 : memref<632x32xf32, #tpu.memory_space<vmem_shared>>)
    %mul3A_34 = arith.constant 81 : i32
    %mul3A_35 = arith.muli %add3A, %mul3A_34 : i32
    %dma_wait3A_36 = arith.constant 0 : i32
    %dma_wait3A_37 = tpu.memref_slice %arg3[%mul3A_35, %dma_wait3A_36] : memref<2592x128xi32, #tpu.memory_space<hbm>> -> memref<81x128xi32, #tpu.memory_space<hbm>>
    %dma_wait3A_38 = arith.constant 0 : i32
    %dma_wait3A_39 = tpu.memref_slice %arg3[%mul3A_35, %dma_wait3A_38] : memref<2592x128xi32, #tpu.memory_space<hbm>> -> memref<81x128xi32, #tpu.memory_space<hbm>>
    tpu.wait_dma2 semaphore(%arg12 : memref<!tpu.dma_semaphore, #tpu.memory_space<semaphore_mem>>) src(%dma_wait3A_39 : memref<81x128xi32, #tpu.memory_space<hbm>>) dst(%arg7 : memref<81x128xi32, #tpu.memory_space<vmem>>)
    %mul3A_40 = arith.constant 81 : i32
    %mul3A_41 = arith.muli %add3A, %mul3A_40 : i32
    %dma_wait3A_42 = arith.constant 0 : i32
    %dma_wait3A_43 = tpu.memref_slice %arg4[%mul3A_41, %dma_wait3A_42] : memref<2592x128xi32, #tpu.memory_space<hbm>> -> memref<81x128xi32, #tpu.memory_space<hbm>>
    %dma_wait3A_44 = arith.constant 0 : i32
    %dma_wait3A_45 = tpu.memref_slice %arg4[%mul3A_41, %dma_wait3A_44] : memref<2592x128xi32, #tpu.memory_space<hbm>> -> memref<81x128xi32, #tpu.memory_space<hbm>>
    tpu.wait_dma2 semaphore(%arg12 : memref<!tpu.dma_semaphore, #tpu.memory_space<semaphore_mem>>) src(%dma_wait3A_45 : memref<81x128xi32, #tpu.memory_space<hbm>>) dst(%arg8 : memref<81x128xi32, #tpu.memory_space<vmem>>)
    %barrier3A = arith.constant 0 : index
    tpu.barrier barrier_id(%barrier3A)
    %dma_start3A_46 = arith.constant 0 : i32
    %dma_start3A_47 = arith.constant 0 : i32
    %dma_start3A_48 = tpu.memref_slice %arg7[%dma_start3A_46, %dma_start3A_47] : memref<81x128xi32, #tpu.memory_space<vmem>> -> memref<1x128xi32, #tpu.memory_space<vmem>>
    %dma_start3A_49 = tpu.memref_squeeze %dma_start3A_48 : memref<1x128xi32, #tpu.memory_space<vmem>> -> memref<128xi32, #tpu.memory_space<vmem>>
    %dma_start3A_50 = arith.constant 0 : i32
    %dma_start3A_51 = arith.constant 0 : i32
    %dma_start3A_52 = tpu.memref_slice %arg18[%dma_start3A_50, %dma_start3A_51] : memref<10000x32xf32, #tpu.memory_space<vmem_shared>> -> memref<10000x32xf32, #tpu.memory_space<vmem_shared>>
    tpu.enqueue_indirect_dma source(%dma_start3A_52 : memref<10000x32xf32, #tpu.memory_space<vmem_shared>>) target(%arg9 : memref<128x32xf32, #tpu.memory_space<vmem>>) offsets(%dma_start3A_49 : memref<128xi32, #tpu.memory_space<vmem>>) semaphore(%arg12 : memref<!tpu.dma_semaphore, #tpu.memory_space<semaphore_mem>>)
    %dma_start3A_53 = arith.constant 1 : i32
    %dma_start3A_54 = arith.constant 0 : i32
    %dma_start3A_55 = tpu.memref_slice %arg7[%dma_start3A_53, %dma_start3A_54] : memref<81x128xi32, #tpu.memory_space<vmem>> -> memref<1x128xi32, #tpu.memory_space<vmem>>
    %dma_start3A_56 = tpu.memref_squeeze %dma_start3A_55 : memref<1x128xi32, #tpu.memory_space<vmem>> -> memref<128xi32, #tpu.memory_space<vmem>>
    %dma_start3A_57 = arith.constant 0 : i32
    %dma_start3A_58 = arith.constant 0 : i32
    %dma_start3A_59 = tpu.memref_slice %arg18[%dma_start3A_57, %dma_start3A_58] : memref<10000x32xf32, #tpu.memory_space<vmem_shared>> -> memref<10000x32xf32, #tpu.memory_space<vmem_shared>>
    tpu.enqueue_indirect_dma source(%dma_start3A_59 : memref<10000x32xf32, #tpu.memory_space<vmem_shared>>) target(%arg10 : memref<128x32xf32, #tpu.memory_space<vmem>>) offsets(%dma_start3A_56 : memref<128xi32, #tpu.memory_space<vmem>>) semaphore(%arg13 : memref<!tpu.dma_semaphore, #tpu.memory_space<semaphore_mem>>)
    %scan3A = arith.constant 0 : i32
    %scan3A_60 = arith.constant 0 : i32
    %scan3A_61 = arith.constant 27 : i32
    %scan3A_62 = arith.addi %scan3A_60, %scan3A_61 : i32
    %scan3A_63 = arith.constant 1 : i32
    scf.for %scan3A_91 = %scan3A_60 to %scan3A_62 step %scan3A_63  : i32 {
      %mul3A_92 = arith.constant 3 : i32
      %mul3A_93 = arith.muli %mul3A_92, %scan3A_91 : i32
      %add3A_94 = arith.constant 0 : i32
      %add3A_95 = arith.addi %mul3A_93, %add3A_94 : i32
      %dma_wait3A_96 = arith.constant 0 : i32
      %dma_wait3A_97 = arith.constant 0 : i32
      %dma_wait3A_98 = tpu.memref_slice %arg7[%dma_wait3A_96, %dma_wait3A_97] : memref<81x128xi32, #tpu.memory_space<vmem>> -> memref<1x128xi32, #tpu.memory_space<vmem>>
      %dma_wait3A_99 = tpu.memref_squeeze %dma_wait3A_98 : memref<1x128xi32, #tpu.memory_space<vmem>> -> memref<128xi32, #tpu.memory_space<vmem>>
      %dma_wait3A_100 = arith.constant 0 : i32
      %dma_wait3A_101 = arith.constant 0 : i32
      %dma_wait3A_102 = tpu.memref_slice %arg18[%dma_wait3A_100, %dma_wait3A_101] : memref<10000x32xf32, #tpu.memory_space<vmem_shared>> -> memref<10000x32xf32, #tpu.memory_space<vmem_shared>>
      tpu.wait_indirect_dma semaphore(%arg12 : memref<!tpu.dma_semaphore, #tpu.memory_space<semaphore_mem>>) src(%dma_wait3A_102 : memref<10000x32xf32, #tpu.memory_space<vmem_shared>>) dst(%arg9 : memref<128x32xf32, #tpu.memory_space<vmem>>)
      %dma_start3A_103 = arith.constant 0 : i32
      %dma_start3A_104 = tpu.memref_slice %arg8[%add3A_95, %dma_start3A_103] : memref<81x128xi32, #tpu.memory_space<vmem>> -> memref<1x128xi32, #tpu.memory_space<vmem>>
      %dma_start3A_105 = tpu.memref_squeeze %dma_start3A_104 : memref<1x128xi32, #tpu.memory_space<vmem>> -> memref<128xi32, #tpu.memory_space<vmem>>
      %dma_start3A_106 = arith.constant 0 : i32
      %dma_start3A_107 = arith.constant 0 : i32
      %dma_start3A_108 = tpu.memref_slice %arg19[%dma_start3A_106, %dma_start3A_107] : memref<10112x32xf32, #tpu.memory_space<vmem_shared>> -> memref<10112x32xf32, #tpu.memory_space<vmem_shared>>
      tpu.enqueue_indirect_dma source(%arg9 : memref<128x32xf32, #tpu.memory_space<vmem>>) target(%dma_start3A_108 : memref<10112x32xf32, #tpu.memory_space<vmem_shared>>) offsets(%dma_start3A_105 : memref<128xi32, #tpu.memory_space<vmem>>) semaphore(%arg15 : memref<!tpu.dma_semaphore, #tpu.memory_space<semaphore_mem>>) {add = true}
      %add3A_109 = arith.constant 2 : i32
      %add3A_110 = arith.addi %add3A_95, %add3A_109 : i32
      %lt3A_111 = arith.constant 81 : i32
      %lt3A_112 = arith.cmpi slt, %add3A_110, %lt3A_111 : i32
      %convert_element_type3A_113 = arith.extui %lt3A_112 : i1 to i32
      %cond3A_114 = arith.constant 0 : i32
      %cond3A_115 = arith.cmpi ne, %convert_element_type3A_113, %cond3A_114 : i32
      scf.if %cond3A_115 {
        %ge3A = arith.constant 1 : i32
        %ge3A_164 = arith.cmpi sge, %add3A_95, %ge3A : i32
        %convert_element_type3A_165 = arith.extui %ge3A_164 : i1 to i32
        %cond3A_166 = arith.constant 0 : i32
        %cond3A_167 = arith.cmpi ne, %convert_element_type3A_165, %cond3A_166 : i32
        scf.if %cond3A_167 {
          %dma_wait3A_176 = arith.constant 0 : i32
          %dma_wait3A_177 = arith.constant 0 : i32
          %dma_wait3A_178 = tpu.memref_slice %arg8[%dma_wait3A_176, %dma_wait3A_177] : memref<81x128xi32, #tpu.memory_space<vmem>> -> memref<1x128xi32, #tpu.memory_space<vmem>>
          %dma_wait3A_179 = tpu.memref_squeeze %dma_wait3A_178 : memref<1x128xi32, #tpu.memory_space<vmem>> -> memref<128xi32, #tpu.memory_space<vmem>>
          %dma_wait3A_180 = arith.constant 0 : i32
          %dma_wait3A_181 = arith.constant 0 : i32
          %dma_wait3A_182 = tpu.memref_slice %arg19[%dma_wait3A_180, %dma_wait3A_181] : memref<10112x32xf32, #tpu.memory_space<vmem_shared>> -> memref<10112x32xf32, #tpu.memory_space<vmem_shared>>
          tpu.wait_indirect_dma semaphore(%arg17 : memref<!tpu.dma_semaphore, #tpu.memory_space<semaphore_mem>>) src(%arg11 : memref<128x32xf32, #tpu.memory_space<vmem>>) dst(%dma_wait3A_182 : memref<10112x32xf32, #tpu.memory_space<vmem_shared>>)
        } else {
        }
        %add3A_168 = arith.constant 2 : i32
        %add3A_169 = arith.addi %add3A_95, %add3A_168 : i32
        %dma_start3A_170 = arith.constant 0 : i32
        %dma_start3A_171 = tpu.memref_slice %arg7[%add3A_169, %dma_start3A_170] : memref<81x128xi32, #tpu.memory_space<vmem>> -> memref<1x128xi32, #tpu.memory_space<vmem>>
        %dma_start3A_172 = tpu.memref_squeeze %dma_start3A_171 : memref<1x128xi32, #tpu.memory_space<vmem>> -> memref<128xi32, #tpu.memory_space<vmem>>
        %dma_start3A_173 = arith.constant 0 : i32
        %dma_start3A_174 = arith.constant 0 : i32
        %dma_start3A_175 = tpu.memref_slice %arg18[%dma_start3A_173, %dma_start3A_174] : memref<10000x32xf32, #tpu.memory_space<vmem_shared>> -> memref<10000x32xf32, #tpu.memory_space<vmem_shared>>
        tpu.enqueue_indirect_dma source(%dma_start3A_175 : memref<10000x32xf32, #tpu.memory_space<vmem_shared>>) target(%arg11 : memref<128x32xf32, #tpu.memory_space<vmem>>) offsets(%dma_start3A_172 : memref<128xi32, #tpu.memory_space<vmem>>) semaphore(%arg14 : memref<!tpu.dma_semaphore, #tpu.memory_space<semaphore_mem>>)
      } else {
      }
      %mul3A_116 = arith.constant 3 : i32
      %mul3A_117 = arith.muli %mul3A_116, %scan3A_91 : i32
      %add3A_118 = arith.constant 1 : i32
      %add3A_119 = arith.addi %mul3A_117, %add3A_118 : i32
      %dma_wait3A_120 = arith.constant 0 : i32
      %dma_wait3A_121 = arith.constant 0 : i32
      %dma_wait3A_122 = tpu.memref_slice %arg7[%dma_wait3A_120, %dma_wait3A_121] : memref<81x128xi32, #tpu.memory_space<vmem>> -> memref<1x128xi32, #tpu.memory_space<vmem>>
      %dma_wait3A_123 = tpu.memref_squeeze %dma_wait3A_122 : memref<1x128xi32, #tpu.memory_space<vmem>> -> memref<128xi32, #tpu.memory_space<vmem>>
      %dma_wait3A_124 = arith.constant 0 : i32
      %dma_wait3A_125 = arith.constant 0 : i32
      %dma_wait3A_126 = tpu.memref_slice %arg18[%dma_wait3A_124, %dma_wait3A_125] : memref<10000x32xf32, #tpu.memory_space<vmem_shared>> -> memref<10000x32xf32, #tpu.memory_space<vmem_shared>>
      tpu.wait_indirect_dma semaphore(%arg13 : memref<!tpu.dma_semaphore, #tpu.memory_space<semaphore_mem>>) src(%dma_wait3A_126 : memref<10000x32xf32, #tpu.memory_space<vmem_shared>>) dst(%arg10 : memref<128x32xf32, #tpu.memory_space<vmem>>)
      %dma_start3A_127 = arith.constant 0 : i32
      %dma_start3A_128 = tpu.memref_slice %arg8[%add3A_119, %dma_start3A_127] : memref<81x128xi32, #tpu.memory_space<vmem>> -> memref<1x128xi32, #tpu.memory_space<vmem>>
      %dma_start3A_129 = tpu.memref_squeeze %dma_start3A_128 : memref<1x128xi32, #tpu.memory_space<vmem>> -> memref<128xi32, #tpu.memory_space<vmem>>
      %dma_start3A_130 = arith.constant 0 : i32
      %dma_start3A_131 = arith.constant 0 : i32
      %dma_start3A_132 = tpu.memref_slice %arg19[%dma_start3A_130, %dma_start3A_131] : memref<10112x32xf32, #tpu.memory_space<vmem_shared>> -> memref<10112x32xf32, #tpu.memory_space<vmem_shared>>
      tpu.enqueue_indirect_dma source(%arg10 : memref<128x32xf32, #tpu.memory_space<vmem>>) target(%dma_start3A_132 : memref<10112x32xf32, #tpu.memory_space<vmem_shared>>) offsets(%dma_start3A_129 : memref<128xi32, #tpu.memory_space<vmem>>) semaphore(%arg16 : memref<!tpu.dma_semaphore, #tpu.memory_space<semaphore_mem>>) {add = true}
      %add3A_133 = arith.constant 2 : i32
      %add3A_134 = arith.addi %add3A_119, %add3A_133 : i32
      %lt3A_135 = arith.constant 81 : i32
      %lt3A_136 = arith.cmpi slt, %add3A_134, %lt3A_135 : i32
      %convert_element_type3A_137 = arith.extui %lt3A_136 : i1 to i32
      %cond3A_138 = arith.constant 0 : i32
      %cond3A_139 = arith.cmpi ne, %convert_element_type3A_137, %cond3A_138 : i32
      scf.if %cond3A_139 {
        %ge3A = arith.constant 1 : i32
        %ge3A_164 = arith.cmpi sge, %add3A_119, %ge3A : i32
        %convert_element_type3A_165 = arith.extui %ge3A_164 : i1 to i32
        %cond3A_166 = arith.constant 0 : i32
        %cond3A_167 = arith.cmpi ne, %convert_element_type3A_165, %cond3A_166 : i32
        scf.if %cond3A_167 {
          %dma_wait3A_176 = arith.constant 0 : i32
          %dma_wait3A_177 = arith.constant 0 : i32
          %dma_wait3A_178 = tpu.memref_slice %arg8[%dma_wait3A_176, %dma_wait3A_177] : memref<81x128xi32, #tpu.memory_space<vmem>> -> memref<1x128xi32, #tpu.memory_space<vmem>>
          %dma_wait3A_179 = tpu.memref_squeeze %dma_wait3A_178 : memref<1x128xi32, #tpu.memory_space<vmem>> -> memref<128xi32, #tpu.memory_space<vmem>>
          %dma_wait3A_180 = arith.constant 0 : i32
          %dma_wait3A_181 = arith.constant 0 : i32
          %dma_wait3A_182 = tpu.memref_slice %arg19[%dma_wait3A_180, %dma_wait3A_181] : memref<10112x32xf32, #tpu.memory_space<vmem_shared>> -> memref<10112x32xf32, #tpu.memory_space<vmem_shared>>
          tpu.wait_indirect_dma semaphore(%arg15 : memref<!tpu.dma_semaphore, #tpu.memory_space<semaphore_mem>>) src(%arg9 : memref<128x32xf32, #tpu.memory_space<vmem>>) dst(%dma_wait3A_182 : memref<10112x32xf32, #tpu.memory_space<vmem_shared>>)
        } else {
        }
        %add3A_168 = arith.constant 2 : i32
        %add3A_169 = arith.addi %add3A_119, %add3A_168 : i32
        %dma_start3A_170 = arith.constant 0 : i32
        %dma_start3A_171 = tpu.memref_slice %arg7[%add3A_169, %dma_start3A_170] : memref<81x128xi32, #tpu.memory_space<vmem>> -> memref<1x128xi32, #tpu.memory_space<vmem>>
        %dma_start3A_172 = tpu.memref_squeeze %dma_start3A_171 : memref<1x128xi32, #tpu.memory_space<vmem>> -> memref<128xi32, #tpu.memory_space<vmem>>
        %dma_start3A_173 = arith.constant 0 : i32
        %dma_start3A_174 = arith.constant 0 : i32
        %dma_start3A_175 = tpu.memref_slice %arg18[%dma_start3A_173, %dma_start3A_174] : memref<10000x32xf32, #tpu.memory_space<vmem_shared>> -> memref<10000x32xf32, #tpu.memory_space<vmem_shared>>
        tpu.enqueue_indirect_dma source(%dma_start3A_175 : memref<10000x32xf32, #tpu.memory_space<vmem_shared>>) target(%arg9 : memref<128x32xf32, #tpu.memory_space<vmem>>) offsets(%dma_start3A_172 : memref<128xi32, #tpu.memory_space<vmem>>) semaphore(%arg12 : memref<!tpu.dma_semaphore, #tpu.memory_space<semaphore_mem>>)
      } else {
      }
      %mul3A_140 = arith.constant 3 : i32
      %mul3A_141 = arith.muli %mul3A_140, %scan3A_91 : i32
      %add3A_142 = arith.constant 2 : i32
      %add3A_143 = arith.addi %mul3A_141, %add3A_142 : i32
      %dma_wait3A_144 = arith.constant 0 : i32
      %dma_wait3A_145 = arith.constant 0 : i32
      %dma_wait3A_146 = tpu.memref_slice %arg7[%dma_wait3A_144, %dma_wait3A_145] : memref<81x128xi32, #tpu.memory_space<vmem>> -> memref<1x128xi32, #tpu.memory_space<vmem>>
      %dma_wait3A_147 = tpu.memref_squeeze %dma_wait3A_146 : memref<1x128xi32, #tpu.memory_space<vmem>> -> memref<128xi32, #tpu.memory_space<vmem>>
      %dma_wait3A_148 = arith.constant 0 : i32
      %dma_wait3A_149 = arith.constant 0 : i32
      %dma_wait3A_150 = tpu.memref_slice %arg18[%dma_wait3A_148, %dma_wait3A_149] : memref<10000x32xf32, #tpu.memory_space<vmem_shared>> -> memref<10000x32xf32, #tpu.memory_space<vmem_shared>>
      tpu.wait_indirect_dma semaphore(%arg14 : memref<!tpu.dma_semaphore, #tpu.memory_space<semaphore_mem>>) src(%dma_wait3A_150 : memref<10000x32xf32, #tpu.memory_space<vmem_shared>>) dst(%arg11 : memref<128x32xf32, #tpu.memory_space<vmem>>)
      %dma_start3A_151 = arith.constant 0 : i32
      %dma_start3A_152 = tpu.memref_slice %arg8[%add3A_143, %dma_start3A_151] : memref<81x128xi32, #tpu.memory_space<vmem>> -> memref<1x128xi32, #tpu.memory_space<vmem>>
      %dma_start3A_153 = tpu.memref_squeeze %dma_start3A_152 : memref<1x128xi32, #tpu.memory_space<vmem>> -> memref<128xi32, #tpu.memory_space<vmem>>
      %dma_start3A_154 = arith.constant 0 : i32
      %dma_start3A_155 = arith.constant 0 : i32
      %dma_start3A_156 = tpu.memref_slice %arg19[%dma_start3A_154, %dma_start3A_155] : memref<10112x32xf32, #tpu.memory_space<vmem_shared>> -> memref<10112x32xf32, #tpu.memory_space<vmem_shared>>
      tpu.enqueue_indirect_dma source(%arg11 : memref<128x32xf32, #tpu.memory_space<vmem>>) target(%dma_start3A_156 : memref<10112x32xf32, #tpu.memory_space<vmem_shared>>) offsets(%dma_start3A_153 : memref<128xi32, #tpu.memory_space<vmem>>) semaphore(%arg17 : memref<!tpu.dma_semaphore, #tpu.memory_space<semaphore_mem>>) {add = true}
      %add3A_157 = arith.constant 2 : i32
      %add3A_158 = arith.addi %add3A_143, %add3A_157 : i32
      %lt3A_159 = arith.constant 81 : i32
      %lt3A_160 = arith.cmpi slt, %add3A_158, %lt3A_159 : i32
      %convert_element_type3A_161 = arith.extui %lt3A_160 : i1 to i32
      %cond3A_162 = arith.constant 0 : i32
      %cond3A_163 = arith.cmpi ne, %convert_element_type3A_161, %cond3A_162 : i32
      scf.if %cond3A_163 {
        %ge3A = arith.constant 1 : i32
        %ge3A_164 = arith.cmpi sge, %add3A_143, %ge3A : i32
        %convert_element_type3A_165 = arith.extui %ge3A_164 : i1 to i32
        %cond3A_166 = arith.constant 0 : i32
        %cond3A_167 = arith.cmpi ne, %convert_element_type3A_165, %cond3A_166 : i32
        scf.if %cond3A_167 {
          %dma_wait3A_176 = arith.constant 0 : i32
          %dma_wait3A_177 = arith.constant 0 : i32
          %dma_wait3A_178 = tpu.memref_slice %arg8[%dma_wait3A_176, %dma_wait3A_177] : memref<81x128xi32, #tpu.memory_space<vmem>> -> memref<1x128xi32, #tpu.memory_space<vmem>>
          %dma_wait3A_179 = tpu.memref_squeeze %dma_wait3A_178 : memref<1x128xi32, #tpu.memory_space<vmem>> -> memref<128xi32, #tpu.memory_space<vmem>>
          %dma_wait3A_180 = arith.constant 0 : i32
          %dma_wait3A_181 = arith.constant 0 : i32
          %dma_wait3A_182 = tpu.memref_slice %arg19[%dma_wait3A_180, %dma_wait3A_181] : memref<10112x32xf32, #tpu.memory_space<vmem_shared>> -> memref<10112x32xf32, #tpu.memory_space<vmem_shared>>
          tpu.wait_indirect_dma semaphore(%arg16 : memref<!tpu.dma_semaphore, #tpu.memory_space<semaphore_mem>>) src(%arg10 : memref<128x32xf32, #tpu.memory_space<vmem>>) dst(%dma_wait3A_182 : memref<10112x32xf32, #tpu.memory_space<vmem_shared>>)
        } else {
        }
        %add3A_168 = arith.constant 2 : i32
        %add3A_169 = arith.addi %add3A_143, %add3A_168 : i32
        %dma_start3A_170 = arith.constant 0 : i32
        %dma_start3A_171 = tpu.memref_slice %arg7[%add3A_169, %dma_start3A_170] : memref<81x128xi32, #tpu.memory_space<vmem>> -> memref<1x128xi32, #tpu.memory_space<vmem>>
        %dma_start3A_172 = tpu.memref_squeeze %dma_start3A_171 : memref<1x128xi32, #tpu.memory_space<vmem>> -> memref<128xi32, #tpu.memory_space<vmem>>
        %dma_start3A_173 = arith.constant 0 : i32
        %dma_start3A_174 = arith.constant 0 : i32
        %dma_start3A_175 = tpu.memref_slice %arg18[%dma_start3A_173, %dma_start3A_174] : memref<10000x32xf32, #tpu.memory_space<vmem_shared>> -> memref<10000x32xf32, #tpu.memory_space<vmem_shared>>
        tpu.enqueue_indirect_dma source(%dma_start3A_175 : memref<10000x32xf32, #tpu.memory_space<vmem_shared>>) target(%arg10 : memref<128x32xf32, #tpu.memory_space<vmem>>) offsets(%dma_start3A_172 : memref<128xi32, #tpu.memory_space<vmem>>) semaphore(%arg13 : memref<!tpu.dma_semaphore, #tpu.memory_space<semaphore_mem>>)
      } else {
      }
    }
    %scan3A_64 = arith.constant 27 : i32
    %dma_wait3A_65 = arith.constant 0 : i32
    %dma_wait3A_66 = arith.constant 0 : i32
    %dma_wait3A_67 = tpu.memref_slice %arg8[%dma_wait3A_65, %dma_wait3A_66] : memref<81x128xi32, #tpu.memory_space<vmem>> -> memref<1x128xi32, #tpu.memory_space<vmem>>
    %dma_wait3A_68 = tpu.memref_squeeze %dma_wait3A_67 : memref<1x128xi32, #tpu.memory_space<vmem>> -> memref<128xi32, #tpu.memory_space<vmem>>
    %dma_wait3A_69 = arith.constant 0 : i32
    %dma_wait3A_70 = arith.constant 0 : i32
    %dma_wait3A_71 = tpu.memref_slice %arg19[%dma_wait3A_69, %dma_wait3A_70] : memref<10112x32xf32, #tpu.memory_space<vmem_shared>> -> memref<10112x32xf32, #tpu.memory_space<vmem_shared>>
    tpu.wait_indirect_dma semaphore(%arg15 : memref<!tpu.dma_semaphore, #tpu.memory_space<semaphore_mem>>) src(%arg9 : memref<128x32xf32, #tpu.memory_space<vmem>>) dst(%dma_wait3A_71 : memref<10112x32xf32, #tpu.memory_space<vmem_shared>>)
    %dma_wait3A_72 = arith.constant 0 : i32
    %dma_wait3A_73 = arith.constant 0 : i32
    %dma_wait3A_74 = tpu.memref_slice %arg8[%dma_wait3A_72, %dma_wait3A_73] : memref<81x128xi32, #tpu.memory_space<vmem>> -> memref<1x128xi32, #tpu.memory_space<vmem>>
    %dma_wait3A_75 = tpu.memref_squeeze %dma_wait3A_74 : memref<1x128xi32, #tpu.memory_space<vmem>> -> memref<128xi32, #tpu.memory_space<vmem>>
    %dma_wait3A_76 = arith.constant 0 : i32
    %dma_wait3A_77 = arith.constant 0 : i32
    %dma_wait3A_78 = tpu.memref_slice %arg19[%dma_wait3A_76, %dma_wait3A_77] : memref<10112x32xf32, #tpu.memory_space<vmem_shared>> -> memref<10112x32xf32, #tpu.memory_space<vmem_shared>>
    tpu.wait_indirect_dma semaphore(%arg16 : memref<!tpu.dma_semaphore, #tpu.memory_space<semaphore_mem>>) src(%arg10 : memref<128x32xf32, #tpu.memory_space<vmem>>) dst(%dma_wait3A_78 : memref<10112x32xf32, #tpu.memory_space<vmem_shared>>)
    %dma_wait3A_79 = arith.constant 0 : i32
    %dma_wait3A_80 = arith.constant 0 : i32
    %dma_wait3A_81 = tpu.memref_slice %arg8[%dma_wait3A_79, %dma_wait3A_80] : memref<81x128xi32, #tpu.memory_space<vmem>> -> memref<1x128xi32, #tpu.memory_space<vmem>>
    %dma_wait3A_82 = tpu.memref_squeeze %dma_wait3A_81 : memref<1x128xi32, #tpu.memory_space<vmem>> -> memref<128xi32, #tpu.memory_space<vmem>>
    %dma_wait3A_83 = arith.constant 0 : i32
    %dma_wait3A_84 = arith.constant 0 : i32
    %dma_wait3A_85 = tpu.memref_slice %arg19[%dma_wait3A_83, %dma_wait3A_84] : memref<10112x32xf32, #tpu.memory_space<vmem_shared>> -> memref<10112x32xf32, #tpu.memory_space<vmem_shared>>
    tpu.wait_indirect_dma semaphore(%arg17 : memref<!tpu.dma_semaphore, #tpu.memory_space<semaphore_mem>>) src(%arg11 : memref<128x32xf32, #tpu.memory_space<vmem>>) dst(%dma_wait3A_85 : memref<10112x32xf32, #tpu.memory_space<vmem_shared>>)
    %barrier3A_86 = arith.constant 0 : index
    tpu.barrier barrier_id(%barrier3A_86)
    %mul3A_87 = arith.constant 632 : i32
    %mul3A_88 = arith.muli %arg1, %mul3A_87 : i32
    %mul3A_89 = arith.constant 632 : i32
    %mul3A_90 = arith.muli %arg1, %mul3A_89 : i32
    "tpu.region"() ({
      %run_scoped3A = tpu.sem_alloc : memref<!tpu.dma_semaphore, #tpu.memory_space<semaphore_mem>>
      %dma_start3A_91 = arith.constant 0 : i32
      %dma_start3A_92 = tpu.memref_slice %arg6[%arg0, %mul3A_90, %dma_start3A_91] : memref<2x10112x32xf32, #tpu.memory_space<hbm>> -> memref<1x632x32xf32, #tpu.memory_space<hbm>>
      %dma_start3A_93 = tpu.memref_squeeze %dma_start3A_92 : memref<1x632x32xf32, #tpu.memory_space<hbm>> -> memref<632x32xf32, #tpu.memory_space<hbm>>
      %dma_start3A_94 = arith.constant 0 : i32
      %dma_start3A_95 = tpu.memref_slice %arg19[%mul3A_88, %dma_start3A_94] : memref<10112x32xf32, #tpu.memory_space<vmem_shared>> -> memref<632x32xf32, #tpu.memory_space<vmem_shared>>
      tpu.enqueue_dma source(%dma_start3A_95 : memref<632x32xf32, #tpu.memory_space<vmem_shared>>) target(%dma_start3A_93 : memref<632x32xf32, #tpu.memory_space<hbm>>) target_semaphore(%run_scoped3A : memref<!tpu.dma_semaphore, #tpu.memory_space<semaphore_mem>>)
      %dma_wait3A_96 = arith.constant 0 : i32
      %dma_wait3A_97 = tpu.memref_slice %arg6[%arg0, %mul3A_90, %dma_wait3A_96] : memref<2x10112x32xf32, #tpu.memory_space<hbm>> -> memref<1x632x32xf32, #tpu.memory_space<hbm>>
      %dma_wait3A_98 = tpu.memref_squeeze %dma_wait3A_97 : memref<1x632x32xf32, #tpu.memory_space<hbm>> -> memref<632x32xf32, #tpu.memory_space<hbm>>
      %dma_wait3A_99 = arith.constant 0 : i32
      %dma_wait3A_100 = tpu.memref_slice %arg19[%mul3A_88, %dma_wait3A_99] : memref<10112x32xf32, #tpu.memory_space<vmem_shared>> -> memref<632x32xf32, #tpu.memory_space<vmem_shared>>
      tpu.wait_dma2 semaphore(%run_scoped3A : memref<!tpu.dma_semaphore, #tpu.memory_space<semaphore_mem>>) src(%dma_wait3A_100 : memref<632x32xf32, #tpu.memory_space<vmem_shared>>) dst(%dma_wait3A_98 : memref<632x32xf32, #tpu.memory_space<hbm>>)
      tpu.yield
    }) : () -> ()
    return
  }
}

#map = affine_map<(d0, d1) -> (0, 0)>
#map1 = affine_map<(d0, d1) -> (0)>
module attributes {stable_mosaic.version = 14 : i64} {
  func.func @_deg_body(%arg0: i32, %arg1: i32, %arg2: memref<2592x128xi32, #tpu.memory_space<hbm>>, %arg3: memref<128xf32, #tpu.memory_space<hbm>>, %arg4: memref<10112xf32, #tpu.memory_space<hbm>>, %arg5: memref<2x10112xf32, #tpu.memory_space<hbm>>, %arg6: memref<81x128xi32, #tpu.memory_space<vmem>>, %arg7: memref<128xf32, #tpu.memory_space<vmem>>, %arg8: memref<!tpu.dma_semaphore, #tpu.memory_space<semaphore_mem>>, %arg9: memref<10112xf32, #tpu.memory_space<vmem_shared>>) attributes {dimension_semantics = [#tpu.dimension_semantics<core_parallel>, #tpu.dimension_semantics<subcore_parallel>], iteration_bounds = array<i64: 2, 16>, scalar_prefetch = 0 : i64, scratch_operands = 4 : i64, tpu.core_type = #tpu.core_type<sc_vector_subcore>, window_params = [{transform_indices = #map}, {transform_indices = #map1}, {transform_indices = #map1}, {transform_indices = #map}]} {
    %mul3A = arith.constant 16 : i32
    %mul3A_0 = arith.muli %arg0, %mul3A : i32
    %add3A = arith.addi %mul3A_0, %arg1 : i32
    tpu.enqueue_dma source(%arg3 : memref<128xf32, #tpu.memory_space<hbm>>) target(%arg7 : memref<128xf32, #tpu.memory_space<vmem>>) target_semaphore(%arg8 : memref<!tpu.dma_semaphore, #tpu.memory_space<semaphore_mem>>)
    %mul3A_1 = arith.constant 632 : i32
    %mul3A_2 = arith.muli %arg1, %mul3A_1 : i32
    %mul3A_3 = arith.constant 632 : i32
    %mul3A_4 = arith.muli %arg1, %mul3A_3 : i32
    %dma_start3A = tpu.memref_slice %arg9[%mul3A_4] : memref<10112xf32, #tpu.memory_space<vmem_shared>> -> memref<632xf32, #tpu.memory_space<vmem_shared>>
    %dma_start3A_5 = tpu.memref_slice %arg4[%mul3A_2] : memref<10112xf32, #tpu.memory_space<hbm>> -> memref<632xf32, #tpu.memory_space<hbm>>
    tpu.enqueue_dma source(%dma_start3A_5 : memref<632xf32, #tpu.memory_space<hbm>>) target(%dma_start3A : memref<632xf32, #tpu.memory_space<vmem_shared>>) target_semaphore(%arg8 : memref<!tpu.dma_semaphore, #tpu.memory_space<semaphore_mem>>)
    %mul3A_6 = arith.constant 81 : i32
    %mul3A_7 = arith.muli %add3A, %mul3A_6 : i32
    %dma_start3A_8 = arith.constant 0 : i32
    %dma_start3A_9 = tpu.memref_slice %arg2[%mul3A_7, %dma_start3A_8] : memref<2592x128xi32, #tpu.memory_space<hbm>> -> memref<81x128xi32, #tpu.memory_space<hbm>>
    %dma_start3A_10 = arith.constant 0 : i32
    %dma_start3A_11 = tpu.memref_slice %arg2[%mul3A_7, %dma_start3A_10] : memref<2592x128xi32, #tpu.memory_space<hbm>> -> memref<81x128xi32, #tpu.memory_space<hbm>>
    tpu.enqueue_dma source(%dma_start3A_11 : memref<81x128xi32, #tpu.memory_space<hbm>>) target(%arg6 : memref<81x128xi32, #tpu.memory_space<vmem>>) target_semaphore(%arg8 : memref<!tpu.dma_semaphore, #tpu.memory_space<semaphore_mem>>)
    tpu.wait_dma2 semaphore(%arg8 : memref<!tpu.dma_semaphore, #tpu.memory_space<semaphore_mem>>) src(%arg3 : memref<128xf32, #tpu.memory_space<hbm>>) dst(%arg7 : memref<128xf32, #tpu.memory_space<vmem>>)
    %mul3A_12 = arith.constant 632 : i32
    %mul3A_13 = arith.muli %arg1, %mul3A_12 : i32
    %mul3A_14 = arith.constant 632 : i32
    %mul3A_15 = arith.muli %arg1, %mul3A_14 : i32
    %dma_wait3A = tpu.memref_slice %arg9[%mul3A_15] : memref<10112xf32, #tpu.memory_space<vmem_shared>> -> memref<632xf32, #tpu.memory_space<vmem_shared>>
    %dma_wait3A_16 = tpu.memref_slice %arg4[%mul3A_13] : memref<10112xf32, #tpu.memory_space<hbm>> -> memref<632xf32, #tpu.memory_space<hbm>>
    tpu.wait_dma2 semaphore(%arg8 : memref<!tpu.dma_semaphore, #tpu.memory_space<semaphore_mem>>) src(%dma_wait3A_16 : memref<632xf32, #tpu.memory_space<hbm>>) dst(%dma_wait3A : memref<632xf32, #tpu.memory_space<vmem_shared>>)
    %mul3A_17 = arith.constant 81 : i32
    %mul3A_18 = arith.muli %add3A, %mul3A_17 : i32
    %dma_wait3A_19 = arith.constant 0 : i32
    %dma_wait3A_20 = tpu.memref_slice %arg2[%mul3A_18, %dma_wait3A_19] : memref<2592x128xi32, #tpu.memory_space<hbm>> -> memref<81x128xi32, #tpu.memory_space<hbm>>
    %dma_wait3A_21 = arith.constant 0 : i32
    %dma_wait3A_22 = tpu.memref_slice %arg2[%mul3A_18, %dma_wait3A_21] : memref<2592x128xi32, #tpu.memory_space<hbm>> -> memref<81x128xi32, #tpu.memory_space<hbm>>
    tpu.wait_dma2 semaphore(%arg8 : memref<!tpu.dma_semaphore, #tpu.memory_space<semaphore_mem>>) src(%dma_wait3A_22 : memref<81x128xi32, #tpu.memory_space<hbm>>) dst(%arg6 : memref<81x128xi32, #tpu.memory_space<vmem>>)
    %barrier3A = arith.constant 0 : index
    tpu.barrier barrier_id(%barrier3A)
    %scan3A = arith.constant 0 : i32
    %scan3A_23 = arith.constant 0 : i32
    %scan3A_24 = arith.constant 81 : i32
    %scan3A_25 = arith.addi %scan3A_23, %scan3A_24 : i32
    %scan3A_26 = arith.constant 1 : i32
    scf.for %scan3A_39 = %scan3A_23 to %scan3A_25 step %scan3A_26  : i32 {
      %dma_start3A_40 = arith.constant 0 : i32
      %dma_start3A_41 = tpu.memref_slice %arg6[%scan3A_39, %dma_start3A_40] : memref<81x128xi32, #tpu.memory_space<vmem>> -> memref<1x128xi32, #tpu.memory_space<vmem>>
      %dma_start3A_42 = tpu.memref_squeeze %dma_start3A_41 : memref<1x128xi32, #tpu.memory_space<vmem>> -> memref<128xi32, #tpu.memory_space<vmem>>
      %dma_start3A_43 = arith.constant 0 : i32
      %dma_start3A_44 = tpu.memref_slice %arg9[%dma_start3A_43] : memref<10112xf32, #tpu.memory_space<vmem_shared>> -> memref<10112xf32, #tpu.memory_space<vmem_shared>>
      tpu.enqueue_indirect_dma source(%arg7 : memref<128xf32, #tpu.memory_space<vmem>>) target(%dma_start3A_44 : memref<10112xf32, #tpu.memory_space<vmem_shared>>) offsets(%dma_start3A_42 : memref<128xi32, #tpu.memory_space<vmem>>) semaphore(%arg8 : memref<!tpu.dma_semaphore, #tpu.memory_space<semaphore_mem>>) {add = true}
    }
    %scan3A_27 = arith.constant 81 : i32
    %scan3A_28 = arith.constant 0 : i32
    %scan3A_29 = arith.constant 0 : i32
    %scan3A_30 = arith.constant 81 : i32
    %scan3A_31 = arith.addi %scan3A_29, %scan3A_30 : i32
    %scan3A_32 = arith.constant 1 : i32
    scf.for %scan3A_39 = %scan3A_29 to %scan3A_31 step %scan3A_32  : i32 {
      %dma_wait3A_40 = arith.constant 0 : i32
      %dma_wait3A_41 = arith.constant 0 : i32
      %dma_wait3A_42 = tpu.memref_slice %arg6[%dma_wait3A_40, %dma_wait3A_41] : memref<81x128xi32, #tpu.memory_space<vmem>> -> memref<1x128xi32, #tpu.memory_space<vmem>>
      %dma_wait3A_43 = tpu.memref_squeeze %dma_wait3A_42 : memref<1x128xi32, #tpu.memory_space<vmem>> -> memref<128xi32, #tpu.memory_space<vmem>>
      %dma_wait3A_44 = arith.constant 0 : i32
      %dma_wait3A_45 = tpu.memref_slice %arg9[%dma_wait3A_44] : memref<10112xf32, #tpu.memory_space<vmem_shared>> -> memref<10112xf32, #tpu.memory_space<vmem_shared>>
      tpu.wait_indirect_dma semaphore(%arg8 : memref<!tpu.dma_semaphore, #tpu.memory_space<semaphore_mem>>) src(%arg7 : memref<128xf32, #tpu.memory_space<vmem>>) dst(%dma_wait3A_45 : memref<10112xf32, #tpu.memory_space<vmem_shared>>)
    }
    %scan3A_33 = arith.constant 81 : i32
    %barrier3A_34 = arith.constant 0 : index
    tpu.barrier barrier_id(%barrier3A_34)
    %mul3A_35 = arith.constant 632 : i32
    %mul3A_36 = arith.muli %arg1, %mul3A_35 : i32
    %mul3A_37 = arith.constant 632 : i32
    %mul3A_38 = arith.muli %arg1, %mul3A_37 : i32
    "tpu.region"() ({
      %run_scoped3A = tpu.sem_alloc : memref<!tpu.dma_semaphore, #tpu.memory_space<semaphore_mem>>
      %dma_start3A_39 = tpu.memref_slice %arg5[%arg0, %mul3A_38] : memref<2x10112xf32, #tpu.memory_space<hbm>> -> memref<1x632xf32, #tpu.memory_space<hbm>>
      %dma_start3A_40 = tpu.memref_squeeze %dma_start3A_39 : memref<1x632xf32, #tpu.memory_space<hbm>> -> memref<632xf32, #tpu.memory_space<hbm>>
      %dma_start3A_41 = tpu.memref_slice %arg9[%mul3A_36] : memref<10112xf32, #tpu.memory_space<vmem_shared>> -> memref<632xf32, #tpu.memory_space<vmem_shared>>
      tpu.enqueue_dma source(%dma_start3A_41 : memref<632xf32, #tpu.memory_space<vmem_shared>>) target(%dma_start3A_40 : memref<632xf32, #tpu.memory_space<hbm>>) target_semaphore(%run_scoped3A : memref<!tpu.dma_semaphore, #tpu.memory_space<semaphore_mem>>)
      %dma_wait3A_42 = tpu.memref_slice %arg5[%arg0, %mul3A_38] : memref<2x10112xf32, #tpu.memory_space<hbm>> -> memref<1x632xf32, #tpu.memory_space<hbm>>
      %dma_wait3A_43 = tpu.memref_squeeze %dma_wait3A_42 : memref<1x632xf32, #tpu.memory_space<hbm>> -> memref<632xf32, #tpu.memory_space<hbm>>
      %dma_wait3A_44 = tpu.memref_slice %arg9[%mul3A_36] : memref<10112xf32, #tpu.memory_space<vmem_shared>> -> memref<632xf32, #tpu.memory_space<vmem_shared>>
      tpu.wait_dma2 semaphore(%run_scoped3A : memref<!tpu.dma_semaphore, #tpu.memory_space<semaphore_mem>>) src(%dma_wait3A_44 : memref<632xf32, #tpu.memory_space<vmem_shared>>) dst(%dma_wait3A_43 : memref<632xf32, #tpu.memory_space<hbm>>)
      tpu.yield
    }) : () -> ()
    return
  }
}

#map = affine_map<(d0, d1) -> (0, 0)>
#map1 = affine_map<(d0, d1) -> (0, 0, 0)>
module attributes {stable_mosaic.version = 14 : i64} {
  func.func @_agg_body(%arg0: i32, %arg1: i32, %arg2: memref<10000x64xf32, #tpu.memory_space<hbm>>, %arg3: memref<2592x128xi32, #tpu.memory_space<hbm>>, %arg4: memref<2592x128xi32, #tpu.memory_space<hbm>>, %arg5: memref<10112x64xf32, #tpu.memory_space<hbm>>, %arg6: memref<2x10112x64xf32, #tpu.memory_space<hbm>>, %arg7: memref<81x128xi32, #tpu.memory_space<vmem>>, %arg8: memref<81x128xi32, #tpu.memory_space<vmem>>, %arg9: memref<128x64xf32, #tpu.memory_space<vmem>>, %arg10: memref<128x64xf32, #tpu.memory_space<vmem>>, %arg11: memref<128x64xf32, #tpu.memory_space<vmem>>, %arg12: memref<!tpu.dma_semaphore, #tpu.memory_space<semaphore_mem>>, %arg13: memref<!tpu.dma_semaphore, #tpu.memory_space<semaphore_mem>>, %arg14: memref<!tpu.dma_semaphore, #tpu.memory_space<semaphore_mem>>, %arg15: memref<!tpu.dma_semaphore, #tpu.memory_space<semaphore_mem>>, %arg16: memref<!tpu.dma_semaphore, #tpu.memory_space<semaphore_mem>>, %arg17: memref<!tpu.dma_semaphore, #tpu.memory_space<semaphore_mem>>, %arg18: memref<10000x64xf32, #tpu.memory_space<vmem_shared>>, %arg19: memref<10112x64xf32, #tpu.memory_space<vmem_shared>>) attributes {dimension_semantics = [#tpu.dimension_semantics<core_parallel>, #tpu.dimension_semantics<subcore_parallel>], iteration_bounds = array<i64: 2, 16>, scalar_prefetch = 0 : i64, scratch_operands = 13 : i64, tpu.core_type = #tpu.core_type<sc_vector_subcore>, window_params = [{transform_indices = #map}, {transform_indices = #map}, {transform_indices = #map}, {transform_indices = #map}, {transform_indices = #map1}]} {
    %mul3A = arith.constant 16 : i32
    %mul3A_0 = arith.muli %arg0, %mul3A : i32
    %add3A = arith.addi %mul3A_0, %arg1 : i32
    %lt3A = arith.constant 10 : i32
    %lt3A_1 = arith.cmpi slt, %arg1, %lt3A : i32
    %convert_element_type3A = arith.extui %lt3A_1 : i1 to i32
    %cond3A = arith.constant 0 : i32
    %cond3A_2 = arith.cmpi ne, %convert_element_type3A, %cond3A : i32
    scf.if %cond3A_2 {
      %mul3A_91 = arith.constant 1000 : i32
      %mul3A_92 = arith.muli %arg1, %mul3A_91 : i32
      %mul3A_93 = arith.constant 1000 : i32
      %mul3A_94 = arith.muli %arg1, %mul3A_93 : i32
      %dma_start3A_95 = arith.constant 0 : i32
      %dma_start3A_96 = tpu.memref_slice %arg18[%mul3A_94, %dma_start3A_95] : memref<10000x64xf32, #tpu.memory_space<vmem_shared>> -> memref<1000x64xf32, #tpu.memory_space<vmem_shared>>
      %dma_start3A_97 = arith.constant 0 : i32
      %dma_start3A_98 = tpu.memref_slice %arg2[%mul3A_92, %dma_start3A_97] : memref<10000x64xf32, #tpu.memory_space<hbm>> -> memref<1000x64xf32, #tpu.memory_space<hbm>>
      tpu.enqueue_dma source(%dma_start3A_98 : memref<1000x64xf32, #tpu.memory_space<hbm>>) target(%dma_start3A_96 : memref<1000x64xf32, #tpu.memory_space<vmem_shared>>) target_semaphore(%arg12 : memref<!tpu.dma_semaphore, #tpu.memory_space<semaphore_mem>>)
    } else {
    }
    %mul3A_3 = arith.constant 632 : i32
    %mul3A_4 = arith.muli %arg1, %mul3A_3 : i32
    %mul3A_5 = arith.constant 632 : i32
    %mul3A_6 = arith.muli %arg1, %mul3A_5 : i32
    %dma_start3A = arith.constant 0 : i32
    %dma_start3A_7 = tpu.memref_slice %arg19[%mul3A_6, %dma_start3A] : memref<10112x64xf32, #tpu.memory_space<vmem_shared>> -> memref<632x64xf32, #tpu.memory_space<vmem_shared>>
    %dma_start3A_8 = arith.constant 0 : i32
    %dma_start3A_9 = tpu.memref_slice %arg5[%mul3A_4, %dma_start3A_8] : memref<10112x64xf32, #tpu.memory_space<hbm>> -> memref<632x64xf32, #tpu.memory_space<hbm>>
    tpu.enqueue_dma source(%dma_start3A_9 : memref<632x64xf32, #tpu.memory_space<hbm>>) target(%dma_start3A_7 : memref<632x64xf32, #tpu.memory_space<vmem_shared>>) target_semaphore(%arg12 : memref<!tpu.dma_semaphore, #tpu.memory_space<semaphore_mem>>)
    %mul3A_10 = arith.constant 81 : i32
    %mul3A_11 = arith.muli %add3A, %mul3A_10 : i32
    %dma_start3A_12 = arith.constant 0 : i32
    %dma_start3A_13 = tpu.memref_slice %arg3[%mul3A_11, %dma_start3A_12] : memref<2592x128xi32, #tpu.memory_space<hbm>> -> memref<81x128xi32, #tpu.memory_space<hbm>>
    %dma_start3A_14 = arith.constant 0 : i32
    %dma_start3A_15 = tpu.memref_slice %arg3[%mul3A_11, %dma_start3A_14] : memref<2592x128xi32, #tpu.memory_space<hbm>> -> memref<81x128xi32, #tpu.memory_space<hbm>>
    tpu.enqueue_dma source(%dma_start3A_15 : memref<81x128xi32, #tpu.memory_space<hbm>>) target(%arg7 : memref<81x128xi32, #tpu.memory_space<vmem>>) target_semaphore(%arg12 : memref<!tpu.dma_semaphore, #tpu.memory_space<semaphore_mem>>)
    %mul3A_16 = arith.constant 81 : i32
    %mul3A_17 = arith.muli %add3A, %mul3A_16 : i32
    %dma_start3A_18 = arith.constant 0 : i32
    %dma_start3A_19 = tpu.memref_slice %arg4[%mul3A_17, %dma_start3A_18] : memref<2592x128xi32, #tpu.memory_space<hbm>> -> memref<81x128xi32, #tpu.memory_space<hbm>>
    %dma_start3A_20 = arith.constant 0 : i32
    %dma_start3A_21 = tpu.memref_slice %arg4[%mul3A_17, %dma_start3A_20] : memref<2592x128xi32, #tpu.memory_space<hbm>> -> memref<81x128xi32, #tpu.memory_space<hbm>>
    tpu.enqueue_dma source(%dma_start3A_21 : memref<81x128xi32, #tpu.memory_space<hbm>>) target(%arg8 : memref<81x128xi32, #tpu.memory_space<vmem>>) target_semaphore(%arg12 : memref<!tpu.dma_semaphore, #tpu.memory_space<semaphore_mem>>)
    %lt3A_22 = arith.constant 10 : i32
    %lt3A_23 = arith.cmpi slt, %arg1, %lt3A_22 : i32
    %convert_element_type3A_24 = arith.extui %lt3A_23 : i1 to i32
    %cond3A_25 = arith.constant 0 : i32
    %cond3A_26 = arith.cmpi ne, %convert_element_type3A_24, %cond3A_25 : i32
    scf.if %cond3A_26 {
      %mul3A_91 = arith.constant 1000 : i32
      %mul3A_92 = arith.muli %arg1, %mul3A_91 : i32
      %mul3A_93 = arith.constant 1000 : i32
      %mul3A_94 = arith.muli %arg1, %mul3A_93 : i32
      %dma_wait3A_95 = arith.constant 0 : i32
      %dma_wait3A_96 = tpu.memref_slice %arg18[%mul3A_94, %dma_wait3A_95] : memref<10000x64xf32, #tpu.memory_space<vmem_shared>> -> memref<1000x64xf32, #tpu.memory_space<vmem_shared>>
      %dma_wait3A_97 = arith.constant 0 : i32
      %dma_wait3A_98 = tpu.memref_slice %arg2[%mul3A_92, %dma_wait3A_97] : memref<10000x64xf32, #tpu.memory_space<hbm>> -> memref<1000x64xf32, #tpu.memory_space<hbm>>
      tpu.wait_dma2 semaphore(%arg12 : memref<!tpu.dma_semaphore, #tpu.memory_space<semaphore_mem>>) src(%dma_wait3A_98 : memref<1000x64xf32, #tpu.memory_space<hbm>>) dst(%dma_wait3A_96 : memref<1000x64xf32, #tpu.memory_space<vmem_shared>>)
    } else {
    }
    %mul3A_27 = arith.constant 632 : i32
    %mul3A_28 = arith.muli %arg1, %mul3A_27 : i32
    %mul3A_29 = arith.constant 632 : i32
    %mul3A_30 = arith.muli %arg1, %mul3A_29 : i32
    %dma_wait3A = arith.constant 0 : i32
    %dma_wait3A_31 = tpu.memref_slice %arg19[%mul3A_30, %dma_wait3A] : memref<10112x64xf32, #tpu.memory_space<vmem_shared>> -> memref<632x64xf32, #tpu.memory_space<vmem_shared>>
    %dma_wait3A_32 = arith.constant 0 : i32
    %dma_wait3A_33 = tpu.memref_slice %arg5[%mul3A_28, %dma_wait3A_32] : memref<10112x64xf32, #tpu.memory_space<hbm>> -> memref<632x64xf32, #tpu.memory_space<hbm>>
    tpu.wait_dma2 semaphore(%arg12 : memref<!tpu.dma_semaphore, #tpu.memory_space<semaphore_mem>>) src(%dma_wait3A_33 : memref<632x64xf32, #tpu.memory_space<hbm>>) dst(%dma_wait3A_31 : memref<632x64xf32, #tpu.memory_space<vmem_shared>>)
    %mul3A_34 = arith.constant 81 : i32
    %mul3A_35 = arith.muli %add3A, %mul3A_34 : i32
    %dma_wait3A_36 = arith.constant 0 : i32
    %dma_wait3A_37 = tpu.memref_slice %arg3[%mul3A_35, %dma_wait3A_36] : memref<2592x128xi32, #tpu.memory_space<hbm>> -> memref<81x128xi32, #tpu.memory_space<hbm>>
    %dma_wait3A_38 = arith.constant 0 : i32
    %dma_wait3A_39 = tpu.memref_slice %arg3[%mul3A_35, %dma_wait3A_38] : memref<2592x128xi32, #tpu.memory_space<hbm>> -> memref<81x128xi32, #tpu.memory_space<hbm>>
    tpu.wait_dma2 semaphore(%arg12 : memref<!tpu.dma_semaphore, #tpu.memory_space<semaphore_mem>>) src(%dma_wait3A_39 : memref<81x128xi32, #tpu.memory_space<hbm>>) dst(%arg7 : memref<81x128xi32, #tpu.memory_space<vmem>>)
    %mul3A_40 = arith.constant 81 : i32
    %mul3A_41 = arith.muli %add3A, %mul3A_40 : i32
    %dma_wait3A_42 = arith.constant 0 : i32
    %dma_wait3A_43 = tpu.memref_slice %arg4[%mul3A_41, %dma_wait3A_42] : memref<2592x128xi32, #tpu.memory_space<hbm>> -> memref<81x128xi32, #tpu.memory_space<hbm>>
    %dma_wait3A_44 = arith.constant 0 : i32
    %dma_wait3A_45 = tpu.memref_slice %arg4[%mul3A_41, %dma_wait3A_44] : memref<2592x128xi32, #tpu.memory_space<hbm>> -> memref<81x128xi32, #tpu.memory_space<hbm>>
    tpu.wait_dma2 semaphore(%arg12 : memref<!tpu.dma_semaphore, #tpu.memory_space<semaphore_mem>>) src(%dma_wait3A_45 : memref<81x128xi32, #tpu.memory_space<hbm>>) dst(%arg8 : memref<81x128xi32, #tpu.memory_space<vmem>>)
    %barrier3A = arith.constant 0 : index
    tpu.barrier barrier_id(%barrier3A)
    %dma_start3A_46 = arith.constant 0 : i32
    %dma_start3A_47 = arith.constant 0 : i32
    %dma_start3A_48 = tpu.memref_slice %arg7[%dma_start3A_46, %dma_start3A_47] : memref<81x128xi32, #tpu.memory_space<vmem>> -> memref<1x128xi32, #tpu.memory_space<vmem>>
    %dma_start3A_49 = tpu.memref_squeeze %dma_start3A_48 : memref<1x128xi32, #tpu.memory_space<vmem>> -> memref<128xi32, #tpu.memory_space<vmem>>
    %dma_start3A_50 = arith.constant 0 : i32
    %dma_start3A_51 = arith.constant 0 : i32
    %dma_start3A_52 = tpu.memref_slice %arg18[%dma_start3A_50, %dma_start3A_51] : memref<10000x64xf32, #tpu.memory_space<vmem_shared>> -> memref<10000x64xf32, #tpu.memory_space<vmem_shared>>
    tpu.enqueue_indirect_dma source(%dma_start3A_52 : memref<10000x64xf32, #tpu.memory_space<vmem_shared>>) target(%arg9 : memref<128x64xf32, #tpu.memory_space<vmem>>) offsets(%dma_start3A_49 : memref<128xi32, #tpu.memory_space<vmem>>) semaphore(%arg12 : memref<!tpu.dma_semaphore, #tpu.memory_space<semaphore_mem>>)
    %dma_start3A_53 = arith.constant 1 : i32
    %dma_start3A_54 = arith.constant 0 : i32
    %dma_start3A_55 = tpu.memref_slice %arg7[%dma_start3A_53, %dma_start3A_54] : memref<81x128xi32, #tpu.memory_space<vmem>> -> memref<1x128xi32, #tpu.memory_space<vmem>>
    %dma_start3A_56 = tpu.memref_squeeze %dma_start3A_55 : memref<1x128xi32, #tpu.memory_space<vmem>> -> memref<128xi32, #tpu.memory_space<vmem>>
    %dma_start3A_57 = arith.constant 0 : i32
    %dma_start3A_58 = arith.constant 0 : i32
    %dma_start3A_59 = tpu.memref_slice %arg18[%dma_start3A_57, %dma_start3A_58] : memref<10000x64xf32, #tpu.memory_space<vmem_shared>> -> memref<10000x64xf32, #tpu.memory_space<vmem_shared>>
    tpu.enqueue_indirect_dma source(%dma_start3A_59 : memref<10000x64xf32, #tpu.memory_space<vmem_shared>>) target(%arg10 : memref<128x64xf32, #tpu.memory_space<vmem>>) offsets(%dma_start3A_56 : memref<128xi32, #tpu.memory_space<vmem>>) semaphore(%arg13 : memref<!tpu.dma_semaphore, #tpu.memory_space<semaphore_mem>>)
    %scan3A = arith.constant 0 : i32
    %scan3A_60 = arith.constant 0 : i32
    %scan3A_61 = arith.constant 27 : i32
    %scan3A_62 = arith.addi %scan3A_60, %scan3A_61 : i32
    %scan3A_63 = arith.constant 1 : i32
    scf.for %scan3A_91 = %scan3A_60 to %scan3A_62 step %scan3A_63  : i32 {
      %mul3A_92 = arith.constant 3 : i32
      %mul3A_93 = arith.muli %mul3A_92, %scan3A_91 : i32
      %add3A_94 = arith.constant 0 : i32
      %add3A_95 = arith.addi %mul3A_93, %add3A_94 : i32
      %dma_wait3A_96 = arith.constant 0 : i32
      %dma_wait3A_97 = arith.constant 0 : i32
      %dma_wait3A_98 = tpu.memref_slice %arg7[%dma_wait3A_96, %dma_wait3A_97] : memref<81x128xi32, #tpu.memory_space<vmem>> -> memref<1x128xi32, #tpu.memory_space<vmem>>
      %dma_wait3A_99 = tpu.memref_squeeze %dma_wait3A_98 : memref<1x128xi32, #tpu.memory_space<vmem>> -> memref<128xi32, #tpu.memory_space<vmem>>
      %dma_wait3A_100 = arith.constant 0 : i32
      %dma_wait3A_101 = arith.constant 0 : i32
      %dma_wait3A_102 = tpu.memref_slice %arg18[%dma_wait3A_100, %dma_wait3A_101] : memref<10000x64xf32, #tpu.memory_space<vmem_shared>> -> memref<10000x64xf32, #tpu.memory_space<vmem_shared>>
      tpu.wait_indirect_dma semaphore(%arg12 : memref<!tpu.dma_semaphore, #tpu.memory_space<semaphore_mem>>) src(%dma_wait3A_102 : memref<10000x64xf32, #tpu.memory_space<vmem_shared>>) dst(%arg9 : memref<128x64xf32, #tpu.memory_space<vmem>>)
      %dma_start3A_103 = arith.constant 0 : i32
      %dma_start3A_104 = tpu.memref_slice %arg8[%add3A_95, %dma_start3A_103] : memref<81x128xi32, #tpu.memory_space<vmem>> -> memref<1x128xi32, #tpu.memory_space<vmem>>
      %dma_start3A_105 = tpu.memref_squeeze %dma_start3A_104 : memref<1x128xi32, #tpu.memory_space<vmem>> -> memref<128xi32, #tpu.memory_space<vmem>>
      %dma_start3A_106 = arith.constant 0 : i32
      %dma_start3A_107 = arith.constant 0 : i32
      %dma_start3A_108 = tpu.memref_slice %arg19[%dma_start3A_106, %dma_start3A_107] : memref<10112x64xf32, #tpu.memory_space<vmem_shared>> -> memref<10112x64xf32, #tpu.memory_space<vmem_shared>>
      tpu.enqueue_indirect_dma source(%arg9 : memref<128x64xf32, #tpu.memory_space<vmem>>) target(%dma_start3A_108 : memref<10112x64xf32, #tpu.memory_space<vmem_shared>>) offsets(%dma_start3A_105 : memref<128xi32, #tpu.memory_space<vmem>>) semaphore(%arg15 : memref<!tpu.dma_semaphore, #tpu.memory_space<semaphore_mem>>) {add = true}
      %add3A_109 = arith.constant 2 : i32
      %add3A_110 = arith.addi %add3A_95, %add3A_109 : i32
      %lt3A_111 = arith.constant 81 : i32
      %lt3A_112 = arith.cmpi slt, %add3A_110, %lt3A_111 : i32
      %convert_element_type3A_113 = arith.extui %lt3A_112 : i1 to i32
      %cond3A_114 = arith.constant 0 : i32
      %cond3A_115 = arith.cmpi ne, %convert_element_type3A_113, %cond3A_114 : i32
      scf.if %cond3A_115 {
        %ge3A = arith.constant 1 : i32
        %ge3A_164 = arith.cmpi sge, %add3A_95, %ge3A : i32
        %convert_element_type3A_165 = arith.extui %ge3A_164 : i1 to i32
        %cond3A_166 = arith.constant 0 : i32
        %cond3A_167 = arith.cmpi ne, %convert_element_type3A_165, %cond3A_166 : i32
        scf.if %cond3A_167 {
          %dma_wait3A_176 = arith.constant 0 : i32
          %dma_wait3A_177 = arith.constant 0 : i32
          %dma_wait3A_178 = tpu.memref_slice %arg8[%dma_wait3A_176, %dma_wait3A_177] : memref<81x128xi32, #tpu.memory_space<vmem>> -> memref<1x128xi32, #tpu.memory_space<vmem>>
          %dma_wait3A_179 = tpu.memref_squeeze %dma_wait3A_178 : memref<1x128xi32, #tpu.memory_space<vmem>> -> memref<128xi32, #tpu.memory_space<vmem>>
          %dma_wait3A_180 = arith.constant 0 : i32
          %dma_wait3A_181 = arith.constant 0 : i32
          %dma_wait3A_182 = tpu.memref_slice %arg19[%dma_wait3A_180, %dma_wait3A_181] : memref<10112x64xf32, #tpu.memory_space<vmem_shared>> -> memref<10112x64xf32, #tpu.memory_space<vmem_shared>>
          tpu.wait_indirect_dma semaphore(%arg17 : memref<!tpu.dma_semaphore, #tpu.memory_space<semaphore_mem>>) src(%arg11 : memref<128x64xf32, #tpu.memory_space<vmem>>) dst(%dma_wait3A_182 : memref<10112x64xf32, #tpu.memory_space<vmem_shared>>)
        } else {
        }
        %add3A_168 = arith.constant 2 : i32
        %add3A_169 = arith.addi %add3A_95, %add3A_168 : i32
        %dma_start3A_170 = arith.constant 0 : i32
        %dma_start3A_171 = tpu.memref_slice %arg7[%add3A_169, %dma_start3A_170] : memref<81x128xi32, #tpu.memory_space<vmem>> -> memref<1x128xi32, #tpu.memory_space<vmem>>
        %dma_start3A_172 = tpu.memref_squeeze %dma_start3A_171 : memref<1x128xi32, #tpu.memory_space<vmem>> -> memref<128xi32, #tpu.memory_space<vmem>>
        %dma_start3A_173 = arith.constant 0 : i32
        %dma_start3A_174 = arith.constant 0 : i32
        %dma_start3A_175 = tpu.memref_slice %arg18[%dma_start3A_173, %dma_start3A_174] : memref<10000x64xf32, #tpu.memory_space<vmem_shared>> -> memref<10000x64xf32, #tpu.memory_space<vmem_shared>>
        tpu.enqueue_indirect_dma source(%dma_start3A_175 : memref<10000x64xf32, #tpu.memory_space<vmem_shared>>) target(%arg11 : memref<128x64xf32, #tpu.memory_space<vmem>>) offsets(%dma_start3A_172 : memref<128xi32, #tpu.memory_space<vmem>>) semaphore(%arg14 : memref<!tpu.dma_semaphore, #tpu.memory_space<semaphore_mem>>)
      } else {
      }
      %mul3A_116 = arith.constant 3 : i32
      %mul3A_117 = arith.muli %mul3A_116, %scan3A_91 : i32
      %add3A_118 = arith.constant 1 : i32
      %add3A_119 = arith.addi %mul3A_117, %add3A_118 : i32
      %dma_wait3A_120 = arith.constant 0 : i32
      %dma_wait3A_121 = arith.constant 0 : i32
      %dma_wait3A_122 = tpu.memref_slice %arg7[%dma_wait3A_120, %dma_wait3A_121] : memref<81x128xi32, #tpu.memory_space<vmem>> -> memref<1x128xi32, #tpu.memory_space<vmem>>
      %dma_wait3A_123 = tpu.memref_squeeze %dma_wait3A_122 : memref<1x128xi32, #tpu.memory_space<vmem>> -> memref<128xi32, #tpu.memory_space<vmem>>
      %dma_wait3A_124 = arith.constant 0 : i32
      %dma_wait3A_125 = arith.constant 0 : i32
      %dma_wait3A_126 = tpu.memref_slice %arg18[%dma_wait3A_124, %dma_wait3A_125] : memref<10000x64xf32, #tpu.memory_space<vmem_shared>> -> memref<10000x64xf32, #tpu.memory_space<vmem_shared>>
      tpu.wait_indirect_dma semaphore(%arg13 : memref<!tpu.dma_semaphore, #tpu.memory_space<semaphore_mem>>) src(%dma_wait3A_126 : memref<10000x64xf32, #tpu.memory_space<vmem_shared>>) dst(%arg10 : memref<128x64xf32, #tpu.memory_space<vmem>>)
      %dma_start3A_127 = arith.constant 0 : i32
      %dma_start3A_128 = tpu.memref_slice %arg8[%add3A_119, %dma_start3A_127] : memref<81x128xi32, #tpu.memory_space<vmem>> -> memref<1x128xi32, #tpu.memory_space<vmem>>
      %dma_start3A_129 = tpu.memref_squeeze %dma_start3A_128 : memref<1x128xi32, #tpu.memory_space<vmem>> -> memref<128xi32, #tpu.memory_space<vmem>>
      %dma_start3A_130 = arith.constant 0 : i32
      %dma_start3A_131 = arith.constant 0 : i32
      %dma_start3A_132 = tpu.memref_slice %arg19[%dma_start3A_130, %dma_start3A_131] : memref<10112x64xf32, #tpu.memory_space<vmem_shared>> -> memref<10112x64xf32, #tpu.memory_space<vmem_shared>>
      tpu.enqueue_indirect_dma source(%arg10 : memref<128x64xf32, #tpu.memory_space<vmem>>) target(%dma_start3A_132 : memref<10112x64xf32, #tpu.memory_space<vmem_shared>>) offsets(%dma_start3A_129 : memref<128xi32, #tpu.memory_space<vmem>>) semaphore(%arg16 : memref<!tpu.dma_semaphore, #tpu.memory_space<semaphore_mem>>) {add = true}
      %add3A_133 = arith.constant 2 : i32
      %add3A_134 = arith.addi %add3A_119, %add3A_133 : i32
      %lt3A_135 = arith.constant 81 : i32
      %lt3A_136 = arith.cmpi slt, %add3A_134, %lt3A_135 : i32
      %convert_element_type3A_137 = arith.extui %lt3A_136 : i1 to i32
      %cond3A_138 = arith.constant 0 : i32
      %cond3A_139 = arith.cmpi ne, %convert_element_type3A_137, %cond3A_138 : i32
      scf.if %cond3A_139 {
        %ge3A = arith.constant 1 : i32
        %ge3A_164 = arith.cmpi sge, %add3A_119, %ge3A : i32
        %convert_element_type3A_165 = arith.extui %ge3A_164 : i1 to i32
        %cond3A_166 = arith.constant 0 : i32
        %cond3A_167 = arith.cmpi ne, %convert_element_type3A_165, %cond3A_166 : i32
        scf.if %cond3A_167 {
          %dma_wait3A_176 = arith.constant 0 : i32
          %dma_wait3A_177 = arith.constant 0 : i32
          %dma_wait3A_178 = tpu.memref_slice %arg8[%dma_wait3A_176, %dma_wait3A_177] : memref<81x128xi32, #tpu.memory_space<vmem>> -> memref<1x128xi32, #tpu.memory_space<vmem>>
          %dma_wait3A_179 = tpu.memref_squeeze %dma_wait3A_178 : memref<1x128xi32, #tpu.memory_space<vmem>> -> memref<128xi32, #tpu.memory_space<vmem>>
          %dma_wait3A_180 = arith.constant 0 : i32
          %dma_wait3A_181 = arith.constant 0 : i32
          %dma_wait3A_182 = tpu.memref_slice %arg19[%dma_wait3A_180, %dma_wait3A_181] : memref<10112x64xf32, #tpu.memory_space<vmem_shared>> -> memref<10112x64xf32, #tpu.memory_space<vmem_shared>>
          tpu.wait_indirect_dma semaphore(%arg15 : memref<!tpu.dma_semaphore, #tpu.memory_space<semaphore_mem>>) src(%arg9 : memref<128x64xf32, #tpu.memory_space<vmem>>) dst(%dma_wait3A_182 : memref<10112x64xf32, #tpu.memory_space<vmem_shared>>)
        } else {
        }
        %add3A_168 = arith.constant 2 : i32
        %add3A_169 = arith.addi %add3A_119, %add3A_168 : i32
        %dma_start3A_170 = arith.constant 0 : i32
        %dma_start3A_171 = tpu.memref_slice %arg7[%add3A_169, %dma_start3A_170] : memref<81x128xi32, #tpu.memory_space<vmem>> -> memref<1x128xi32, #tpu.memory_space<vmem>>
        %dma_start3A_172 = tpu.memref_squeeze %dma_start3A_171 : memref<1x128xi32, #tpu.memory_space<vmem>> -> memref<128xi32, #tpu.memory_space<vmem>>
        %dma_start3A_173 = arith.constant 0 : i32
        %dma_start3A_174 = arith.constant 0 : i32
        %dma_start3A_175 = tpu.memref_slice %arg18[%dma_start3A_173, %dma_start3A_174] : memref<10000x64xf32, #tpu.memory_space<vmem_shared>> -> memref<10000x64xf32, #tpu.memory_space<vmem_shared>>
        tpu.enqueue_indirect_dma source(%dma_start3A_175 : memref<10000x64xf32, #tpu.memory_space<vmem_shared>>) target(%arg9 : memref<128x64xf32, #tpu.memory_space<vmem>>) offsets(%dma_start3A_172 : memref<128xi32, #tpu.memory_space<vmem>>) semaphore(%arg12 : memref<!tpu.dma_semaphore, #tpu.memory_space<semaphore_mem>>)
      } else {
      }
      %mul3A_140 = arith.constant 3 : i32
      %mul3A_141 = arith.muli %mul3A_140, %scan3A_91 : i32
      %add3A_142 = arith.constant 2 : i32
      %add3A_143 = arith.addi %mul3A_141, %add3A_142 : i32
      %dma_wait3A_144 = arith.constant 0 : i32
      %dma_wait3A_145 = arith.constant 0 : i32
      %dma_wait3A_146 = tpu.memref_slice %arg7[%dma_wait3A_144, %dma_wait3A_145] : memref<81x128xi32, #tpu.memory_space<vmem>> -> memref<1x128xi32, #tpu.memory_space<vmem>>
      %dma_wait3A_147 = tpu.memref_squeeze %dma_wait3A_146 : memref<1x128xi32, #tpu.memory_space<vmem>> -> memref<128xi32, #tpu.memory_space<vmem>>
      %dma_wait3A_148 = arith.constant 0 : i32
      %dma_wait3A_149 = arith.constant 0 : i32
      %dma_wait3A_150 = tpu.memref_slice %arg18[%dma_wait3A_148, %dma_wait3A_149] : memref<10000x64xf32, #tpu.memory_space<vmem_shared>> -> memref<10000x64xf32, #tpu.memory_space<vmem_shared>>
      tpu.wait_indirect_dma semaphore(%arg14 : memref<!tpu.dma_semaphore, #tpu.memory_space<semaphore_mem>>) src(%dma_wait3A_150 : memref<10000x64xf32, #tpu.memory_space<vmem_shared>>) dst(%arg11 : memref<128x64xf32, #tpu.memory_space<vmem>>)
      %dma_start3A_151 = arith.constant 0 : i32
      %dma_start3A_152 = tpu.memref_slice %arg8[%add3A_143, %dma_start3A_151] : memref<81x128xi32, #tpu.memory_space<vmem>> -> memref<1x128xi32, #tpu.memory_space<vmem>>
      %dma_start3A_153 = tpu.memref_squeeze %dma_start3A_152 : memref<1x128xi32, #tpu.memory_space<vmem>> -> memref<128xi32, #tpu.memory_space<vmem>>
      %dma_start3A_154 = arith.constant 0 : i32
      %dma_start3A_155 = arith.constant 0 : i32
      %dma_start3A_156 = tpu.memref_slice %arg19[%dma_start3A_154, %dma_start3A_155] : memref<10112x64xf32, #tpu.memory_space<vmem_shared>> -> memref<10112x64xf32, #tpu.memory_space<vmem_shared>>
      tpu.enqueue_indirect_dma source(%arg11 : memref<128x64xf32, #tpu.memory_space<vmem>>) target(%dma_start3A_156 : memref<10112x64xf32, #tpu.memory_space<vmem_shared>>) offsets(%dma_start3A_153 : memref<128xi32, #tpu.memory_space<vmem>>) semaphore(%arg17 : memref<!tpu.dma_semaphore, #tpu.memory_space<semaphore_mem>>) {add = true}
      %add3A_157 = arith.constant 2 : i32
      %add3A_158 = arith.addi %add3A_143, %add3A_157 : i32
      %lt3A_159 = arith.constant 81 : i32
      %lt3A_160 = arith.cmpi slt, %add3A_158, %lt3A_159 : i32
      %convert_element_type3A_161 = arith.extui %lt3A_160 : i1 to i32
      %cond3A_162 = arith.constant 0 : i32
      %cond3A_163 = arith.cmpi ne, %convert_element_type3A_161, %cond3A_162 : i32
      scf.if %cond3A_163 {
        %ge3A = arith.constant 1 : i32
        %ge3A_164 = arith.cmpi sge, %add3A_143, %ge3A : i32
        %convert_element_type3A_165 = arith.extui %ge3A_164 : i1 to i32
        %cond3A_166 = arith.constant 0 : i32
        %cond3A_167 = arith.cmpi ne, %convert_element_type3A_165, %cond3A_166 : i32
        scf.if %cond3A_167 {
          %dma_wait3A_176 = arith.constant 0 : i32
          %dma_wait3A_177 = arith.constant 0 : i32
          %dma_wait3A_178 = tpu.memref_slice %arg8[%dma_wait3A_176, %dma_wait3A_177] : memref<81x128xi32, #tpu.memory_space<vmem>> -> memref<1x128xi32, #tpu.memory_space<vmem>>
          %dma_wait3A_179 = tpu.memref_squeeze %dma_wait3A_178 : memref<1x128xi32, #tpu.memory_space<vmem>> -> memref<128xi32, #tpu.memory_space<vmem>>
          %dma_wait3A_180 = arith.constant 0 : i32
          %dma_wait3A_181 = arith.constant 0 : i32
          %dma_wait3A_182 = tpu.memref_slice %arg19[%dma_wait3A_180, %dma_wait3A_181] : memref<10112x64xf32, #tpu.memory_space<vmem_shared>> -> memref<10112x64xf32, #tpu.memory_space<vmem_shared>>
          tpu.wait_indirect_dma semaphore(%arg16 : memref<!tpu.dma_semaphore, #tpu.memory_space<semaphore_mem>>) src(%arg10 : memref<128x64xf32, #tpu.memory_space<vmem>>) dst(%dma_wait3A_182 : memref<10112x64xf32, #tpu.memory_space<vmem_shared>>)
        } else {
        }
        %add3A_168 = arith.constant 2 : i32
        %add3A_169 = arith.addi %add3A_143, %add3A_168 : i32
        %dma_start3A_170 = arith.constant 0 : i32
        %dma_start3A_171 = tpu.memref_slice %arg7[%add3A_169, %dma_start3A_170] : memref<81x128xi32, #tpu.memory_space<vmem>> -> memref<1x128xi32, #tpu.memory_space<vmem>>
        %dma_start3A_172 = tpu.memref_squeeze %dma_start3A_171 : memref<1x128xi32, #tpu.memory_space<vmem>> -> memref<128xi32, #tpu.memory_space<vmem>>
        %dma_start3A_173 = arith.constant 0 : i32
        %dma_start3A_174 = arith.constant 0 : i32
        %dma_start3A_175 = tpu.memref_slice %arg18[%dma_start3A_173, %dma_start3A_174] : memref<10000x64xf32, #tpu.memory_space<vmem_shared>> -> memref<10000x64xf32, #tpu.memory_space<vmem_shared>>
        tpu.enqueue_indirect_dma source(%dma_start3A_175 : memref<10000x64xf32, #tpu.memory_space<vmem_shared>>) target(%arg10 : memref<128x64xf32, #tpu.memory_space<vmem>>) offsets(%dma_start3A_172 : memref<128xi32, #tpu.memory_space<vmem>>) semaphore(%arg13 : memref<!tpu.dma_semaphore, #tpu.memory_space<semaphore_mem>>)
      } else {
      }
    }
    %scan3A_64 = arith.constant 27 : i32
    %dma_wait3A_65 = arith.constant 0 : i32
    %dma_wait3A_66 = arith.constant 0 : i32
    %dma_wait3A_67 = tpu.memref_slice %arg8[%dma_wait3A_65, %dma_wait3A_66] : memref<81x128xi32, #tpu.memory_space<vmem>> -> memref<1x128xi32, #tpu.memory_space<vmem>>
    %dma_wait3A_68 = tpu.memref_squeeze %dma_wait3A_67 : memref<1x128xi32, #tpu.memory_space<vmem>> -> memref<128xi32, #tpu.memory_space<vmem>>
    %dma_wait3A_69 = arith.constant 0 : i32
    %dma_wait3A_70 = arith.constant 0 : i32
    %dma_wait3A_71 = tpu.memref_slice %arg19[%dma_wait3A_69, %dma_wait3A_70] : memref<10112x64xf32, #tpu.memory_space<vmem_shared>> -> memref<10112x64xf32, #tpu.memory_space<vmem_shared>>
    tpu.wait_indirect_dma semaphore(%arg15 : memref<!tpu.dma_semaphore, #tpu.memory_space<semaphore_mem>>) src(%arg9 : memref<128x64xf32, #tpu.memory_space<vmem>>) dst(%dma_wait3A_71 : memref<10112x64xf32, #tpu.memory_space<vmem_shared>>)
    %dma_wait3A_72 = arith.constant 0 : i32
    %dma_wait3A_73 = arith.constant 0 : i32
    %dma_wait3A_74 = tpu.memref_slice %arg8[%dma_wait3A_72, %dma_wait3A_73] : memref<81x128xi32, #tpu.memory_space<vmem>> -> memref<1x128xi32, #tpu.memory_space<vmem>>
    %dma_wait3A_75 = tpu.memref_squeeze %dma_wait3A_74 : memref<1x128xi32, #tpu.memory_space<vmem>> -> memref<128xi32, #tpu.memory_space<vmem>>
    %dma_wait3A_76 = arith.constant 0 : i32
    %dma_wait3A_77 = arith.constant 0 : i32
    %dma_wait3A_78 = tpu.memref_slice %arg19[%dma_wait3A_76, %dma_wait3A_77] : memref<10112x64xf32, #tpu.memory_space<vmem_shared>> -> memref<10112x64xf32, #tpu.memory_space<vmem_shared>>
    tpu.wait_indirect_dma semaphore(%arg16 : memref<!tpu.dma_semaphore, #tpu.memory_space<semaphore_mem>>) src(%arg10 : memref<128x64xf32, #tpu.memory_space<vmem>>) dst(%dma_wait3A_78 : memref<10112x64xf32, #tpu.memory_space<vmem_shared>>)
    %dma_wait3A_79 = arith.constant 0 : i32
    %dma_wait3A_80 = arith.constant 0 : i32
    %dma_wait3A_81 = tpu.memref_slice %arg8[%dma_wait3A_79, %dma_wait3A_80] : memref<81x128xi32, #tpu.memory_space<vmem>> -> memref<1x128xi32, #tpu.memory_space<vmem>>
    %dma_wait3A_82 = tpu.memref_squeeze %dma_wait3A_81 : memref<1x128xi32, #tpu.memory_space<vmem>> -> memref<128xi32, #tpu.memory_space<vmem>>
    %dma_wait3A_83 = arith.constant 0 : i32
    %dma_wait3A_84 = arith.constant 0 : i32
    %dma_wait3A_85 = tpu.memref_slice %arg19[%dma_wait3A_83, %dma_wait3A_84] : memref<10112x64xf32, #tpu.memory_space<vmem_shared>> -> memref<10112x64xf32, #tpu.memory_space<vmem_shared>>
    tpu.wait_indirect_dma semaphore(%arg17 : memref<!tpu.dma_semaphore, #tpu.memory_space<semaphore_mem>>) src(%arg11 : memref<128x64xf32, #tpu.memory_space<vmem>>) dst(%dma_wait3A_85 : memref<10112x64xf32, #tpu.memory_space<vmem_shared>>)
    %barrier3A_86 = arith.constant 0 : index
    tpu.barrier barrier_id(%barrier3A_86)
    %mul3A_87 = arith.constant 632 : i32
    %mul3A_88 = arith.muli %arg1, %mul3A_87 : i32
    %mul3A_89 = arith.constant 632 : i32
    %mul3A_90 = arith.muli %arg1, %mul3A_89 : i32
    "tpu.region"() ({
      %run_scoped3A = tpu.sem_alloc : memref<!tpu.dma_semaphore, #tpu.memory_space<semaphore_mem>>
      %dma_start3A_91 = arith.constant 0 : i32
      %dma_start3A_92 = tpu.memref_slice %arg6[%arg0, %mul3A_90, %dma_start3A_91] : memref<2x10112x64xf32, #tpu.memory_space<hbm>> -> memref<1x632x64xf32, #tpu.memory_space<hbm>>
      %dma_start3A_93 = tpu.memref_squeeze %dma_start3A_92 : memref<1x632x64xf32, #tpu.memory_space<hbm>> -> memref<632x64xf32, #tpu.memory_space<hbm>>
      %dma_start3A_94 = arith.constant 0 : i32
      %dma_start3A_95 = tpu.memref_slice %arg19[%mul3A_88, %dma_start3A_94] : memref<10112x64xf32, #tpu.memory_space<vmem_shared>> -> memref<632x64xf32, #tpu.memory_space<vmem_shared>>
      tpu.enqueue_dma source(%dma_start3A_95 : memref<632x64xf32, #tpu.memory_space<vmem_shared>>) target(%dma_start3A_93 : memref<632x64xf32, #tpu.memory_space<hbm>>) target_semaphore(%run_scoped3A : memref<!tpu.dma_semaphore, #tpu.memory_space<semaphore_mem>>)
      %dma_wait3A_96 = arith.constant 0 : i32
      %dma_wait3A_97 = tpu.memref_slice %arg6[%arg0, %mul3A_90, %dma_wait3A_96] : memref<2x10112x64xf32, #tpu.memory_space<hbm>> -> memref<1x632x64xf32, #tpu.memory_space<hbm>>
      %dma_wait3A_98 = tpu.memref_squeeze %dma_wait3A_97 : memref<1x632x64xf32, #tpu.memory_space<hbm>> -> memref<632x64xf32, #tpu.memory_space<hbm>>
      %dma_wait3A_99 = arith.constant 0 : i32
      %dma_wait3A_100 = tpu.memref_slice %arg19[%mul3A_88, %dma_wait3A_99] : memref<10112x64xf32, #tpu.memory_space<vmem_shared>> -> memref<632x64xf32, #tpu.memory_space<vmem_shared>>
      tpu.wait_dma2 semaphore(%run_scoped3A : memref<!tpu.dma_semaphore, #tpu.memory_space<semaphore_mem>>) src(%dma_wait3A_100 : memref<632x64xf32, #tpu.memory_space<vmem_shared>>) dst(%dma_wait3A_98 : memref<632x64xf32, #tpu.memory_space<hbm>>)
      tpu.yield
    }) : () -> ()
    return
  }
}

module attributes {stable_mosaic.version = 14 : i64} {
  func.func @_tc1_body(%arg0: i32, %arg1: memref<2x1024xf32, #tpu.memory_space<vmem>>, %arg2: memref<1024x128xf32, #tpu.memory_space<vmem>>, %arg3: memref<128x64xf32, #tpu.memory_space<vmem>>, %arg4: memref<1024x64xf32, #tpu.memory_space<vmem>>, %arg5: memref<1024x8xf32, #tpu.memory_space<vmem>>) attributes {dimension_semantics = [#tpu.dimension_semantics<arbitrary>], iteration_bounds = array<i64: 10>, scalar_prefetch = 0 : i64, scratch_operands = 0 : i64, tpu.core_type = #tpu.core_type<tc>, window_params = [{transform_indices = @transform_0, window_bounds = array<i64: 2, 1024>}, {transform_indices = @transform_1, window_bounds = array<i64: 1024, 128>}, {pipeline_mode = #tpu.pipeline_mode<synchronous>, transform_indices = @transform_2, window_bounds = array<i64: 128, 64>}, {transform_indices = @transform_3, window_bounds = array<i64: 1024, 64>}, {transform_indices = @transform_4, window_bounds = array<i64: 1024, 8>}]} {
    %get3A = arith.constant 0 : index
    %get3A_0 = arith.constant 0 : index
    %get3A_1 = vector.load %arg1[%get3A, %get3A_0] : memref<2x1024xf32, #tpu.memory_space<vmem>>, vector<1x1024xf32>
    %get3A_2 = vector.shape_cast %get3A_1 : vector<1x1024xf32> to vector<1024xf32>
    %get3A_3 = arith.constant 1 : index
    %get3A_4 = arith.constant 0 : index
    %get3A_5 = vector.load %arg1[%get3A_3, %get3A_4] : memref<2x1024xf32, #tpu.memory_space<vmem>>, vector<1x1024xf32>
    %get3A_6 = vector.shape_cast %get3A_5 : vector<1x1024xf32> to vector<1024xf32>
    %add3A = arith.addf %get3A_2, %get3A_6 : vector<1024xf32>
    %add3A_7 = arith.constant 1.000000e+00 : f32
    %add3A_8 = vector.broadcast %add3A_7 : f32 to vector<1024xf32>
    %add3A_9 = arith.addf %add3A, %add3A_8 : vector<1024xf32>
    %rsqrt3A = math.rsqrt %add3A_9 : vector<1024xf32>
    %broadcast_in_dim3A = vector.shape_cast %rsqrt3A : vector<1024xf32> to vector<1024x1xf32>
    %broadcast_in_dim3A_10 = vector.shape_cast %broadcast_in_dim3A : vector<1024x1xf32> to vector<1024x1xf32>
    %broadcast_in_dim3A_11 = vector.broadcast %broadcast_in_dim3A_10 : vector<1024x1xf32> to vector<1024x8xf32>
    %swap3A = arith.constant 0 : index
    %swap3A_12 = arith.constant 0 : index
    %swap3A_13 = vector.load %arg5[%swap3A, %swap3A_12] : memref<1024x8xf32, #tpu.memory_space<vmem>>, vector<1024x8xf32>
    tpu.vector_store %arg5[%swap3A, %swap3A_12], %broadcast_in_dim3A_11 {strides = array<i32>} : memref<1024x8xf32, #tpu.memory_space<vmem>>, vector<1024x8xf32>,
    %get3A_14 = arith.constant 0 : index
    %get3A_15 = arith.constant 0 : index
    %get3A_16 = vector.load %arg2[%get3A_14, %get3A_15] : memref<1024x128xf32, #tpu.memory_space<vmem>>, vector<1024x128xf32>
    %get3A_17 = arith.constant 0 : index
    %get3A_18 = arith.constant 0 : index
    %get3A_19 = vector.load %arg3[%get3A_17, %get3A_18] : memref<128x64xf32, #tpu.memory_space<vmem>>, vector<128x64xf32>
    %dot_general3A = arith.constant dense<0.000000e+00> : vector<1024x64xf32>
    %dot_general3A_20 = tpu.matmul %get3A_16, %get3A_19, %dot_general3A {dimension_numbers = #tpu.dot_dimension_numbers<[1], [0], [0], [1], [0, 0, 1, 1], [], []>, transpose_lhs_hint = false} : vector<1024x128xf32>, vector<128x64xf32>, vector<1024x64xf32> -> vector<1024x64xf32>
    %mul3A = vector.broadcast %broadcast_in_dim3A : vector<1024x1xf32> to vector<1024x64xf32>
    %mul3A_21 = arith.mulf %dot_general3A_20, %mul3A : vector<1024x64xf32>
    %swap3A_22 = arith.constant 0 : index
    %swap3A_23 = arith.constant 0 : index
    %swap3A_24 = vector.load %arg4[%swap3A_22, %swap3A_23] : memref<1024x64xf32, #tpu.memory_space<vmem>>, vector<1024x64xf32>
    tpu.vector_store %arg4[%swap3A_22, %swap3A_23], %mul3A_21 {strides = array<i32>} : memref<1024x64xf32, #tpu.memory_space<vmem>>, vector<1024x64xf32>,
    return
  }
  func.func @transform_0(%arg0: i32) -> (i32, i32) {
    %c0_i32 = arith.constant 0 : i32
    %c0_i32_0 = arith.constant 0 : i32
    return %c0_i32, %arg0 : i32, i32
  }
  func.func @transform_1(%arg0: i32) -> (i32, i32) {
    %c0_i32 = arith.constant 0 : i32
    %c0_i32_0 = arith.constant 0 : i32
    return %arg0, %c0_i32 : i32, i32
  }
  func.func @transform_2(%arg0: i32) -> (i32, i32) {
    %c0_i32 = arith.constant 0 : i32
    %c0_i32_0 = arith.constant 0 : i32
    %c0_i32_1 = arith.constant 0 : i32
    return %c0_i32, %c0_i32_0 : i32, i32
  }
  func.func @transform_3(%arg0: i32) -> (i32, i32) {
    %c0_i32 = arith.constant 0 : i32
    %c0_i32_0 = arith.constant 0 : i32
    return %arg0, %c0_i32 : i32, i32
  }
  func.func @transform_4(%arg0: i32) -> (i32, i32) {
    %c0_i32 = arith.constant 0 : i32
    %c0_i32_0 = arith.constant 0 : i32
    return %arg0, %c0_i32 : i32, i32
  }
}

module attributes {stable_mosaic.version = 14 : i64} {
  func.func @_tc2_body(%arg0: i32, %arg1: memref<2x1024x64xf32, #tpu.memory_space<vmem>>, %arg2: memref<1024x64xf32, #tpu.memory_space<vmem>>, %arg3: memref<1024x8xf32, #tpu.memory_space<vmem>>, %arg4: memref<1x64xf32, #tpu.memory_space<vmem>>, %arg5: memref<64x32xf32, #tpu.memory_space<vmem>>, %arg6: memref<1024x32xf32, #tpu.memory_space<vmem>>) attributes {dimension_semantics = [#tpu.dimension_semantics<arbitrary>], iteration_bounds = array<i64: 10>, scalar_prefetch = 0 : i64, scratch_operands = 0 : i64, tpu.core_type = #tpu.core_type<tc>, window_params = [{transform_indices = @transform_0, window_bounds = array<i64: 2, 1024, 64>}, {transform_indices = @transform_1, window_bounds = array<i64: 1024, 64>}, {transform_indices = @transform_2, window_bounds = array<i64: 1024, 8>}, {pipeline_mode = #tpu.pipeline_mode<synchronous>, transform_indices = @transform_3, window_bounds = array<i64: 1, 64>}, {pipeline_mode = #tpu.pipeline_mode<synchronous>, transform_indices = @transform_4, window_bounds = array<i64: 64, 32>}, {transform_indices = @transform_5, window_bounds = array<i64: 1024, 32>}]} {
    %get3A = arith.constant 0 : index
    %get3A_0 = arith.constant 0 : index
    %get3A_1 = arith.constant 0 : index
    %get3A_2 = vector.load %arg1[%get3A, %get3A_0, %get3A_1] : memref<2x1024x64xf32, #tpu.memory_space<vmem>>, vector<1x1024x64xf32>
    %get3A_3 = vector.shape_cast %get3A_2 : vector<1x1024x64xf32> to vector<1024x64xf32>
    %get3A_4 = arith.constant 1 : index
    %get3A_5 = arith.constant 0 : index
    %get3A_6 = arith.constant 0 : index
    %get3A_7 = vector.load %arg1[%get3A_4, %get3A_5, %get3A_6] : memref<2x1024x64xf32, #tpu.memory_space<vmem>>, vector<1x1024x64xf32>
    %get3A_8 = vector.shape_cast %get3A_7 : vector<1x1024x64xf32> to vector<1024x64xf32>
    %add3A = arith.addf %get3A_3, %get3A_8 : vector<1024x64xf32>
    %get3A_9 = arith.constant 0 : index
    %get3A_10 = arith.constant 0 : index
    %get3A_11 = vector.load %arg2[%get3A_9, %get3A_10] : memref<1024x64xf32, #tpu.memory_space<vmem>>, vector<1024x64xf32>
    %add3A_12 = arith.addf %add3A, %get3A_11 : vector<1024x64xf32>
    %get3A_13 = arith.constant 0 : index
    %get3A_14 = arith.constant 0 : index
    %get3A_15 = vector.load %arg3[%get3A_13, %get3A_14] : memref<1024x8xf32, #tpu.memory_space<vmem>>, vector<1024x1xf32>
    %mul3A = vector.broadcast %get3A_15 : vector<1024x1xf32> to vector<1024x64xf32>
    %mul3A_16 = arith.mulf %add3A_12, %mul3A : vector<1024x64xf32>
    %get3A_17 = arith.constant 0 : index
    %get3A_18 = arith.constant 0 : index
    %get3A_19 = vector.load %arg4[%get3A_17, %get3A_18] : memref<1x64xf32, #tpu.memory_space<vmem>>, vector<1x64xf32>
    %add3A_20 = vector.broadcast %get3A_19 : vector<1x64xf32> to vector<1024x64xf32>
    %add3A_21 = arith.addf %mul3A_16, %add3A_20 : vector<1024x64xf32>
    %max3A = arith.constant 0.000000e+00 : f32
    %max3A_22 = vector.broadcast %max3A : f32 to vector<1024x64xf32>
    %max3A_23 = arith.maximumf %add3A_21, %max3A_22 : vector<1024x64xf32>
    %get3A_24 = arith.constant 0 : index
    %get3A_25 = arith.constant 0 : index
    %get3A_26 = vector.load %arg5[%get3A_24, %get3A_25] : memref<64x32xf32, #tpu.memory_space<vmem>>, vector<64x32xf32>
    %dot_general3A = arith.constant dense<0.000000e+00> : vector<1024x32xf32>
    %dot_general3A_27 = tpu.matmul %max3A_23, %get3A_26, %dot_general3A {dimension_numbers = #tpu.dot_dimension_numbers<[1], [0], [0], [1], [0, 0, 1, 1], [], []>, transpose_lhs_hint = false} : vector<1024x64xf32>, vector<64x32xf32>, vector<1024x32xf32> -> vector<1024x32xf32>
    %mul3A_28 = vector.broadcast %get3A_15 : vector<1024x1xf32> to vector<1024x32xf32>
    %mul3A_29 = arith.mulf %dot_general3A_27, %mul3A_28 : vector<1024x32xf32>
    %swap3A = arith.constant 0 : index
    %swap3A_30 = arith.constant 0 : index
    %swap3A_31 = vector.load %arg6[%swap3A, %swap3A_30] : memref<1024x32xf32, #tpu.memory_space<vmem>>, vector<1024x32xf32>
    tpu.vector_store %arg6[%swap3A, %swap3A_30], %mul3A_29 {strides = array<i32>} : memref<1024x32xf32, #tpu.memory_space<vmem>>, vector<1024x32xf32>,
    return
  }
  func.func @transform_0(%arg0: i32) -> (i32, i32, i32) {
    %c0_i32 = arith.constant 0 : i32
    %c0_i32_0 = arith.constant 0 : i32
    %c0_i32_1 = arith.constant 0 : i32
    return %c0_i32, %arg0, %c0_i32_0 : i32, i32, i32
  }
  func.func @transform_1(%arg0: i32) -> (i32, i32) {
    %c0_i32 = arith.constant 0 : i32
    %c0_i32_0 = arith.constant 0 : i32
    return %arg0, %c0_i32 : i32, i32
  }
  func.func @transform_2(%arg0: i32) -> (i32, i32) {
    %c0_i32 = arith.constant 0 : i32
    %c0_i32_0 = arith.constant 0 : i32
    return %arg0, %c0_i32 : i32, i32
  }
  func.func @transform_3(%arg0: i32) -> (i32, i32) {
    %c0_i32 = arith.constant 0 : i32
    %c0_i32_0 = arith.constant 0 : i32
    %c0_i32_1 = arith.constant 0 : i32
    return %c0_i32, %c0_i32_0 : i32, i32
  }
  func.func @transform_4(%arg0: i32) -> (i32, i32) {
    %c0_i32 = arith.constant 0 : i32
    %c0_i32_0 = arith.constant 0 : i32
    %c0_i32_1 = arith.constant 0 : i32
    return %c0_i32, %c0_i32_0 : i32, i32
  }
  func.func @transform_5(%arg0: i32) -> (i32, i32) {
    %c0_i32 = arith.constant 0 : i32
    %c0_i32_0 = arith.constant 0 : i32
    return %arg0, %c0_i32 : i32, i32
  }
}

module attributes {stable_mosaic.version = 14 : i64} {
  func.func @_tc3_body(%arg0: i32, %arg1: memref<2x1024x32xf32, #tpu.memory_space<vmem>>, %arg2: memref<1024x32xf32, #tpu.memory_space<vmem>>, %arg3: memref<1024x8xf32, #tpu.memory_space<vmem>>, %arg4: memref<1x32xf32, #tpu.memory_space<vmem>>, %arg5: memref<1024x32xf32, #tpu.memory_space<vmem>>) attributes {dimension_semantics = [#tpu.dimension_semantics<arbitrary>], iteration_bounds = array<i64: 10>, scalar_prefetch = 0 : i64, scratch_operands = 0 : i64, tpu.core_type = #tpu.core_type<tc>, window_params = [{transform_indices = @transform_0, window_bounds = array<i64: 2, 1024, 32>}, {transform_indices = @transform_1, window_bounds = array<i64: 1024, 32>}, {transform_indices = @transform_2, window_bounds = array<i64: 1024, 8>}, {pipeline_mode = #tpu.pipeline_mode<synchronous>, transform_indices = @transform_3, window_bounds = array<i64: 1, 32>}, {transform_indices = @transform_4, window_bounds = array<i64: 1024, 32>}]} {
    %get3A = arith.constant 0 : index
    %get3A_0 = arith.constant 0 : index
    %get3A_1 = arith.constant 0 : index
    %get3A_2 = vector.load %arg1[%get3A, %get3A_0, %get3A_1] : memref<2x1024x32xf32, #tpu.memory_space<vmem>>, vector<1x1024x32xf32>
    %get3A_3 = vector.shape_cast %get3A_2 : vector<1x1024x32xf32> to vector<1024x32xf32>
    %get3A_4 = arith.constant 1 : index
    %get3A_5 = arith.constant 0 : index
    %get3A_6 = arith.constant 0 : index
    %get3A_7 = vector.load %arg1[%get3A_4, %get3A_5, %get3A_6] : memref<2x1024x32xf32, #tpu.memory_space<vmem>>, vector<1x1024x32xf32>
    %get3A_8 = vector.shape_cast %get3A_7 : vector<1x1024x32xf32> to vector<1024x32xf32>
    %add3A = arith.addf %get3A_3, %get3A_8 : vector<1024x32xf32>
    %get3A_9 = arith.constant 0 : index
    %get3A_10 = arith.constant 0 : index
    %get3A_11 = vector.load %arg2[%get3A_9, %get3A_10] : memref<1024x32xf32, #tpu.memory_space<vmem>>, vector<1024x32xf32>
    %add3A_12 = arith.addf %add3A, %get3A_11 : vector<1024x32xf32>
    %get3A_13 = arith.constant 0 : index
    %get3A_14 = arith.constant 0 : index
    %get3A_15 = vector.load %arg3[%get3A_13, %get3A_14] : memref<1024x8xf32, #tpu.memory_space<vmem>>, vector<1024x1xf32>
    %mul3A = vector.broadcast %get3A_15 : vector<1024x1xf32> to vector<1024x32xf32>
    %mul3A_16 = arith.mulf %add3A_12, %mul3A : vector<1024x32xf32>
    %get3A_17 = arith.constant 0 : index
    %get3A_18 = arith.constant 0 : index
    %get3A_19 = vector.load %arg4[%get3A_17, %get3A_18] : memref<1x32xf32, #tpu.memory_space<vmem>>, vector<1x32xf32>
    %add3A_20 = vector.broadcast %get3A_19 : vector<1x32xf32> to vector<1024x32xf32>
    %add3A_21 = arith.addf %mul3A_16, %add3A_20 : vector<1024x32xf32>
    %reduce_max3A = arith.constant dense<0xFF800000> : vector<1024xf32>
    %reduce_max3A_22 = vector.multi_reduction <maximumf>, %add3A_21, %reduce_max3A [1] : vector<1024x32xf32> to vector<1024xf32>
    %broadcast_in_dim3A = vector.shape_cast %reduce_max3A_22 : vector<1024xf32> to vector<1024x1xf32>
    %sub3A = vector.broadcast %broadcast_in_dim3A : vector<1024x1xf32> to vector<1024x32xf32>
    %sub3A_23 = arith.subf %add3A_21, %sub3A : vector<1024x32xf32>
    %exp3A = math.exp %sub3A_23 : vector<1024x32xf32>
    %reduce_sum3A = arith.constant dense<0.000000e+00> : vector<1024xf32>
    %reduce_sum3A_24 = vector.multi_reduction <add>, %exp3A, %reduce_sum3A [1] : vector<1024x32xf32> to vector<1024xf32>
    %broadcast_in_dim3A_25 = vector.shape_cast %reduce_sum3A_24 : vector<1024xf32> to vector<1024x1xf32>
    %log3A = math.log %broadcast_in_dim3A_25 : vector<1024x1xf32>
    %sub3A_26 = vector.broadcast %broadcast_in_dim3A : vector<1024x1xf32> to vector<1024x32xf32>
    %sub3A_27 = arith.subf %add3A_21, %sub3A_26 : vector<1024x32xf32>
    %sub3A_28 = vector.broadcast %log3A : vector<1024x1xf32> to vector<1024x32xf32>
    %sub3A_29 = arith.subf %sub3A_27, %sub3A_28 : vector<1024x32xf32>
    %swap3A = arith.constant 0 : index
    %swap3A_30 = arith.constant 0 : index
    %swap3A_31 = vector.load %arg5[%swap3A, %swap3A_30] : memref<1024x32xf32, #tpu.memory_space<vmem>>, vector<1024x32xf32>
    tpu.vector_store %arg5[%swap3A, %swap3A_30], %sub3A_29 {strides = array<i32>} : memref<1024x32xf32, #tpu.memory_space<vmem>>, vector<1024x32xf32>,
    return
  }
  func.func @transform_0(%arg0: i32) -> (i32, i32, i32) {
    %c0_i32 = arith.constant 0 : i32
    %c0_i32_0 = arith.constant 0 : i32
    %c0_i32_1 = arith.constant 0 : i32
    return %c0_i32, %arg0, %c0_i32_0 : i32, i32, i32
  }
  func.func @transform_1(%arg0: i32) -> (i32, i32) {
    %c0_i32 = arith.constant 0 : i32
    %c0_i32_0 = arith.constant 0 : i32
    return %arg0, %c0_i32 : i32, i32
  }
  func.func @transform_2(%arg0: i32) -> (i32, i32) {
    %c0_i32 = arith.constant 0 : i32
    %c0_i32_0 = arith.constant 0 : i32
    return %arg0, %c0_i32 : i32, i32
  }
  func.func @transform_3(%arg0: i32) -> (i32, i32) {
    %c0_i32 = arith.constant 0 : i32
    %c0_i32_0 = arith.constant 0 : i32
    %c0_i32_1 = arith.constant 0 : i32
    return %c0_i32, %c0_i32_0 : i32, i32
  }
  func.func @transform_4(%arg0: i32) -> (i32, i32) {
    %c0_i32 = arith.constant 0 : i32
    %c0_i32_0 = arith.constant 0 : i32
    return %arg0, %c0_i32 : i32, i32
  }
}

</mosaic_0001>

<sc_bundles>
// kernel: kernel.11.cloned.1.call-start
scs
__scs_entry_jumppad:
0x0: {  	(pc) =	sbr.rel $0x88, $3  }
0x1: {  	(tag) =	ssettag $0x0;
	lr =	simm.s32 $0x1  }
0x2: {  	[smem:$0x3F9B] =	sst lr;
	_ =	strace $0xD0000000  }
0x3: {  	_ = 	snop  }
0x4: {  	_ = 	snop  }
0x5: {  	_ = 	snop  }
0x6: {  	_ = 	snop  }
0x7: {  	_ = 	snop  }
__scs_overlays_trampoline_lowered:
0x8: {  	[smem:$0x3FAA] =	sst s0  }
0x9: {  	[smem:$0x3FAB] =	sst s1  }
0xa: {  	[smem:$0x3FAC] =	sst s2  }
0xb: {  	[smem:$0x3FAD] =	sst s3  }
0xc: {  	[smem:$0x3FAE] =	sst s4  }
0xd: {  	[smem:$0x3FAF] =	sst s5  }
0xe: {  	[smem:$0x3FB0] =	sst s6  }
0xf: {  	[smem:$0x3FB1] =	sst s7  }
0x10: {  	[smem:$0x3FB2] =	sst s8  }
0x11: {  	[smem:$0x3FB3] =	sst s9;
	s0 =	simm.s32 @!p0 $0x0  }
0x12: {  	s1 =	sld [smem:$0x3F99];
	s0 =	simm.s32 @p0 $0x1  }
0x13: {  	[smem:$0x3FB4] =	sst s0;
	s0 =	simm.s32 @!p1 $0x0  }
0x14: {  	s2 =	sld [smem:$0x3F98];
	s0 =	simm.s32 @p1 $0x1  }
0x15: {  	[smem:$0x3FB5] =	sst s0;
	s0 =	simm.s32 @!p2 $0x0  }
0x16: {  	s3 =	sld [smem:$0x3FDB];
	s0 =	simm.s32 @p2 $0x1  }
0x17: {  	s4 =	simm.s32 $0x1BF5;
	[smem:$0x3FB7] =	sst s0  }
0x18: {  	s0 =	sld [smem:$0x3F9A];
	_ =	swait.ge [sflag:s4], $0x0  }
0x19: {  	s7 =	sld [smem:$0x3F9B]  }
0x1a: {  	s8 =	sadd.s32 $0xFFFFE003, lr  }
0x1b: {  	s9 =	sadd.s32 $0xFFFFFEF7, lr;
	s5 =	simm.s32 $0xFFFFFFFF;
	p2 =	slt.u32 s8, $0xFFFFF086  }
0x1c: {  	p1 =	slt.u32 s9, $0xF7A;
	s5 =	simm.s32 @!p2 $0x0  }
0x1d: {  	s5 =	simm.s32 @p1 $0x1;
	p0 =	seq.s32 s7, s2  }
0x1e: {  	s7 =	smul.u32 @!p0 $0xF7A, s2;
	p2 =	seq.s32 @!p0 s5, $0x0  }
0x1f: {  	s9 =	smul.u32 $0xF7A, s1;
	s8 =	simm.s32 @!p0 $0x1BF5;
	p2 =	por !p2, p0  }
0x20: {  	[sflag:s8] =	ssyncset.s32 @!p0 $0xFFFFF086;
	s6 =	sadd.s32 @!p0 s3, s7;
	s7 =	simm.s32 @!p0 $0x108  }
0x21: {  	s3 =	sadd.s32 s3, s9;
	s6 =	sadd.s32 @!p0 $0x88, s6;
	s7 =	simm.s32 @p2 $0x1082  }
0x22: {  	[simem:s7], [sflag:s8] =	dma.local @!p0 [hbm:s6], $0xF7A  }
0x23: {  	s9 =	sor.u32 $0xD0000000, s2;
	s6 =	simm.s32 $0x108;
	_ =	swait.ge @!p0 [sflag:s8], $0x0  }
0x24: {  	s3 =	sadd.s32 $0x88, s3;
	s6 =	simm.s32 @!p1 $0x1082;
	[sflag:s4] =	ssyncset.s32 $0xFFFFF086  }
0x25: {  	[simem:s6], [sflag:s4] =	dma.local [hbm:s3], $0xF7A  }
0x26: {  	[smem:$0x3F9B] =	sst s1;
	(tag) =	ssettag s2;
	_ =	strace s9  }
0x27: {  	s1 =	sld [smem:$0x3FAB]  }
0x28: {  	s2 =	sld [smem:$0x3FAC]  }
0x29: {  	s4 =	sld [smem:$0x3FAE]  }
0x2a: {  	p0 =	seq.s32 s5, $0x0;
	s5 =	sld [smem:$0x3FAF]  }
0x2b: {  	s6 =	sld [smem:$0x3FB0]  }
0x2c: {  	s7 =	sld [smem:$0x3FB1]  }
0x2d: {  	s3 =	simm.s32 $0x108;
	s8 =	sld [smem:$0x3FB2]  }
0x2e: {  	s3 =	simm.s32 @!p0 $0x1082;
	s9 =	sld [smem:$0x3FB3]  }
0x2f: {  	lr =	sadd.s32 s0, s3;
	s0 =	sld [smem:$0x3FAA]  }
0x30: {  	s3 =	sld [smem:$0x3FAD]  }
0x31: {  	[smem:$0x3FB6] =	sst s10  }
0x32: {  	s10 =	sld [smem:$0x3FB4];
	_ =	sdelay $0x3  }
0x33: {  	p0 =	seq.s32 s10, $0x1;
	s10 =	sld [smem:$0x3FB6];
	_ =	sdelay $0x3  }
0x34: {  	[smem:$0x3FB6] =	sst s10  }
0x35: {  	s10 =	sld [smem:$0x3FB5];
	_ =	sdelay $0x3  }
0x36: {  	p1 =	seq.s32 s10, $0x1;
	s10 =	sld [smem:$0x3FB6];
	_ =	sdelay $0x3  }
0x37: {  	[smem:$0x3FB6] =	sst s10  }
0x38: {  	s10 =	sld [smem:$0x3FB7]  }
0x39: {  	_ = 	snop;
	(pc) =	sbr.ind lr, $3  }
0x3a: {  	_ = 	snop  }
0x3b: {  	_ = 	snop  }
0x3c: {  	p2 =	seq.s32 s10, $0x1;
	s10 =	sld [smem:$0x3FB6]  }
0x3d: {  	_ =	shalt  }
0x3e: {  	_ =	shalt  }
0x3f: {  	_ =	shalt  }
0x40: {  	_ =	shalt  }
0x41: {  	_ =	shalt  }
0x42: {  	_ =	shalt  }
0x43: {  	_ =	shalt  }
0x44: {  	_ =	shalt  }
0x45: {  	_ =	shalt  }
0x46: {  	_ =	shalt  }
0x47: {  	_ =	shalt  }
0x48: {  	_ =	shalt  }
0x49: {  	_ =	shalt  }
0x4a: {  	_ =	shalt  }
0x4b: {  	_ =	shalt  }
0x4c: {  	_ =	shalt  }
0x4d: {  	_ =	shalt  }
0x4e: {  	_ =	shalt  }
0x4f: {  	_ =	shalt  }
0x50: {  	_ =	shalt  }
0x51: {  	_ =	shalt  }
0x52: {  	_ =	shalt  }
0x53: {  	_ =	shalt  }
0x54: {  	_ =	shalt  }
0x55: {  	_ =	shalt  }
0x56: {  	_ =	shalt  }
0x57: {  	_ =	shalt  }
0x58: {  	_ =	shalt  }
0x59: {  	_ =	shalt  }
0x5a: {  	_ =	shalt  }
0x5b: {  	_ =	shalt  }
0x5c: {  	_ =	shalt  }
0x5d: {  	_ =	shalt  }
0x5e: {  	_ =	shalt  }
0x5f: {  	_ =	shalt  }
0x60: {  	_ =	shalt  }
0x61: {  	_ =	shalt  }
0x62: {  	_ =	shalt  }
0x63: {  	_ =	shalt  }
0x64: {  	_ =	shalt  }
0x65: {  	_ =	shalt  }
0x66: {  	_ =	shalt  }
0x67: {  	_ =	shalt  }
0x68: {  	_ =	shalt  }
0x69: {  	_ =	shalt  }
0x6a: {  	_ =	shalt  }
0x6b: {  	_ =	shalt  }
0x6c: {  	_ =	shalt  }
0x6d: {  	_ =	shalt  }
0x6e: {  	_ =	shalt  }
0x6f: {  	_ =	shalt  }
0x70: {  	_ =	shalt  }
0x71: {  	_ =	shalt  }
0x72: {  	_ =	shalt  }
0x73: {  	_ =	shalt  }
0x74: {  	_ =	shalt  }
0x75: {  	_ =	shalt  }
0x76: {  	_ =	shalt  }
0x77: {  	_ =	shalt  }
0x78: {  	_ =	shalt  }
0x79: {  	_ =	shalt  }
0x7a: {  	_ =	shalt  }
0x7b: {  	_ =	shalt  }
0x7c: {  	_ =	shalt  }
0x7d: {  	_ =	shalt  }
0x7e: {  	_ =	shalt  }
0x7f: {  	_ =	shalt  }
0x80: {  	_ =	shalt  }
0x81: {  	_ =	shalt  }
0x82: {  	_ =	shalt  }
0x83: {  	_ =	shalt  }
0x84: {  	_ =	shalt  }
0x85: {  	_ =	shalt  }
0x86: {  	_ =	shalt  }
0x87: {  	_ =	shalt  }
.Lfunc_end0:
.L_simem_size_0:
called_computation.1_lowered:
.L_overlay_start_0:
0x88: {  	s2 =	sld [smem:$0x3FD9]  }
0x89: {  	s3 =	sld [smem:$0x3FFE];
	_ =	sdelay $0x1  }
0x8a: {  	s1 =	srdreg.scid  }
0x8b: {  	s0 =	sand.u32 $0x1, s1  }
0x8c: {  	s16 =	sshll.u32 s0, $0xA;
	s2 =	sadd.s32 s3, s2  }
0x8d: {  	s2 =	sadd.s32 s2, s16  }
0x8e: {  	[smem:$0x3FC2] =	sst s2  }
0x8f: {  	_ = 	snop  }
0x90: {  	(tm) =	ssettm $0x1  }
0x91: {  	s17 =	sld [smem:$0x3FFB];
	_ =	sdelay $0x3  }
0x92: {  	_ =	strace s17  }
0x93: {  	s2 =	sld [smem:$0x3FFC];
	_ =	sdelay $0x3  }
0x94: {  	_ =	strace s2  }
0x95: {  	s2 =	sld [smem:$0x3FFD];
	_ =	sdelay $0x3  }
0x96: {  	_ =	strace s2  }
0x97: {  	_ =	strace $0x8FFFFFFF  }
0x98: {  	s18 =	sld [smem:$0x3FDB];
	_ =	sdelay $0x1  }
0x99: {  	s19 =	simm.s32 $_scs_section_size  }
0x9a: {  	s4 =	simm.s32 $_size__tile_overlayer_lowered;
	s5 =	simm.s32 $_tile_overlayer_lowered  }
0x9b: {  	s22 =	simm.s32 $0x1BFF;
	s21 =	sshll.u32 s5, $0x1;
	s2 =	sadd.s32 s19, s18  }
0x9c: {  	s6 =	simm.s32 $0x0;
	s20 =	sshll.u32 s4, $0x1;
	s4 =	sadd.s32 s21, s2  }
0x9d: {  	[timem:s6], [sflag:s22] =	dma.local [hbm:s4], s20  }
0x9e: {  	_ =	swait.ge [sflag:s22], s20  }
0x9f: {  	s3 =	ssub.s32 $0x0, s20;
	[sflag:s22] =	ssyncset.done $0x0  }
0xa0: {  	[sflag:s22] =	ssyncadd.s32 s3;
	_ =	sdelay $0x1  }
0xa1: {  	s23 =	simm.s32 $0x1B8B  }
0xa2: {  	_ =	swait.ge [sflag:s23], $0x1  }
0xa3: {  	[sflag:s23] =	ssyncset.done $0x0  }
0xa4: {  	s25 =	simm.s32 $0x1B8E;
	s24 =	sld [smem:$0x3FFE];
	[sflag:s23] =	ssyncadd.s32 $0xFFFFFFFF  }
0xa5: {  	s26 =	simm.s32 $execute0_lowered;
	[smem:$0x3FD2] =	sst s25  }
0xa6: {  	s4 =	sshll.u32 s26, $0x1;
	_ =	strace $0x80000049;
	[dreg:$0x1] =	wrdreg $0xFFFFFFFF  }
0xa7: {  	s28 =	simm.s32 $_size_execute0_lowered;
	s2 =	sadd.s32 s2, s4;
	[dreg:$0x0] =	wrdreg $0x0  }
0xa8: {  	s4 =	sshll.u32 s28, $0x1;
	[dreg:$0x2] =	wrdreg s2  }
0xa9: {  	[dreg:$0x3] =	wrdreg s4  }
0xaa: {  	[dreg:$0x4] =	wrdreg $0xC0  }
0xab: {  	_ =	task [dreg:s6], $0x5FFFF  }
0xac: {  	[dreg:$0x1] =	wrdreg $0xFFFFFFFF  }
0xad: {  	[dreg:$0x0] =	wrdreg $0x60  }
0xae: {  	[dreg:$0x2] =	wrdreg s24  }
0xaf: {  	[dreg:$0x3] =	wrdreg $0xB1000  }
0xb0: {  	[dreg:$0x4] =	wrdreg $0x14D400  }
0xb1: {  	[dreg:$0x5] =	wrdreg $0x9  }
0xb2: {  	_ =	task.clear_ibuf [dreg:s6], $0x6FFFF;
	_ =	strace $0x90000049  }
0xb3: {  	s29 =	simm.s32 $0x9;
	_ =	strace $0x8000004B  }
0xb4: {  	_ =	swait.ge [sflag:s29], $0x1  }
0xb5: {  	[sflag:s29] =	ssyncadd.s32 $0xFFFFFFFF  }
0xb6: {  	_ =	strace $0x9000004B  }
0xb7: {  	_ =	sfence  }
0xb8: {  	s30 =	sld [smem:$0x0];
	_ =	sdelay $0x2  }
0xb9: {  	s31 =	sshll.u32 s1, $0xD;
	s1 =	sshrl.u32 s1, $0x2  }
0xba: {  	s3 =	sand.u32 $0x4000, s31;
	s1 =	sadd.s32 s1, s30  }
0xbb: {  	s0 =	sor.u32 s3, s0;
	s1 =	sshll.u32 s1, $0x11  }
0xbc: {  	s0 =	sor.u32 s1, s0  }
0xbd: {  	s0 =	sadd.s32 $0x8F2B, s0  }
0xbe: {  	[sflag:s0] =	ssyncadd.remote.s32 $0x1  }
0xbf: {  	_ =	sfence.sel $0xFFFF  }
0xc0: {  	[dreg:$0x0] =	wrdreg $0xFFFFFFFF;
	(pc) =	sbr.abs _section_cstart, $3  }
0xc1: {  	[dreg:$0x1] =	wrdreg $0xFFFFFFFF  }
0xc2: {  	_ =	task.clear_ibuf [dreg:s6], $0x2FFFF;
	_ =	strace $0x9FFFFFFF  }
0xc3: {  	(tm) =	ssettm $0x7FFFFFFF  }
tec
execute0_lowered:
.L_overlay_start_1:
0x0: {  	(tag) =	ssettag $0x1  }
0x1: {  	s0 =	srdreg.scid;
	s1 =	rddreg [dreg:$0x0]  }
0x2: {  	s12 =	stileid.u32;
	s2 =	rddreg [dreg:$0x1]  }
0x3: {  	s16 =	simm.s32 $0x2880;
	s17 =	simm.s32 $0x1;
	s18 =	simm.s32 $0x80  }
0x4: {  	s19 =	simm.s32 $0x5100;
	s20 =	simm.s32 $0x7100;
	s22 =	simm.s32 $0x9100  }
0x5: {  	s23 =	simm.s32 $0x2;
	s25 =	simm.s32 $0x4;
	s28 =	simm.s32 $0x3  }
0x6: {  	s30 =	simm.s32 $0x5;
	s24 =	simm.s32 $0x2A80;
	s5 =	smul.u32 $0xFA00, s12  }
0x7: {  	s29 =	simm.s32 $0x0;
	s0 =	sand.u32 $0x1, s0;
	s7 =	smul.u32 $0x9E00, s12  }
0x8: {  	p0 =	sgt.u32 s12, $0x9;
	s3 =	sshll.u32 s0, $0x4;
	s9 =	smul.u32 $0x9E000, s0  }
0x9: {  	s0 =	ssub.s32 $0x2, s0;
	s4 =	sor.u32 s12, s3;
	s3 =	rddreg [dreg:$0x2]  }
0xa: {  	s8 =	sshrl.u32 s5, $0x3;
	s31 =	sshrl.u32 s7, $0x3;
	s11 =	sshrl.u32 s0, $0x1  }
0xb: {  	s13 =	sadd.s32 s5, s2;
	s6 =	smul.u32 $0x510, s4;
	s4 =	simm.s32 $0x0  }
0xc: {  	s8 =	sadd.s32 s8, s1;
	s26 =	sadd.s32 s7, s9;
	s9 =	sadd.s32 s31, s1  }
0xd: {  	s0 =	ssub.s32 s0, s11;
	s15 =	sadd.s32 s7, s3;
	s13 =	sshrl.u32 @!p0 s13, $0x3  }
0xe: {  	[smem:$0x7FF] =	sst s4;
	s5 =	sadd.s32 $0x16200, s8;
	s15 =	sshrl.u32 s15, $0x3  }
0xf: {  	_ =	strace $0x8000004A;
	s10 =	sadd.s32 s6, s1;
	s6 =	sshrl.u32 s26, $0x3  }
0x10: {  	s26 =	simm.s32 $0x7;
	s1 =	sadd.s32 s6, s1;
	s6 =	sadd.s32 $0x29C00, s9  }
0x11: {  	s7 =	sadd.s32 $0xC000, s10;
	s8 =	sadd.s32 $0x1600, s10;
	s10 =	smax.u32 s0, $0x1  }
0x12: {  	s9 =	sadd.s32 $0x3D800, s1;
	s1 =	sshll.u32 @!p0 s12, $0x6;
	s12 =	sshll.u32 s12, $0x6  }
0x13: {  	s0 =	simm.s32 $0x6;
	s11 =	sor.u32 @!p0 $0x1C01, s1;
	s14 =	sor.u32 $0x1C01, s12  }
.LBB2_1:
0x14: {  	[spmem:s13], [sflag:s11] =	dma.local @!p0 [hbm:s5], $0x1F40  }
0x15: {  	[spmem:s15], [sflag:s14] =	dma.local [hbm:s6], $0x13C0  }
0x16: {  	[tilespmem:s4], [sflag:$0x1] =	stream.linear.gather [hbm4b:s7+s4], $0x2880, $0x38;
	[tilespmem:$0x1EB40] =	vst v63  }
0x17: {  	s1 =	simm.s32 @!p0 $0x1  }
0x18: {  	[tilespmem:s16], [sflag:$0x1] =	stream.linear.gather [hbm4b:s8+s4], $0x2880, $0x38;
	[tilespmem:$0x1EB40] =	vst v63  }
0x19: {  	_ =	swait.ge @!p0 [sflag:s1], $0x1F40  }
0x1a: {  	[sflag:s1] =	ssyncset.done @!p0 $0x0  }
0x1b: {  	[sflag:s1] =	ssyncadd.s32 @!p0 $0xFFFFE0C0  }
0x1c: {  	_ =	swait.ge [sflag:s17], $0x13C0  }
0x1d: {  	[sflag:s17] =	ssyncset.done $0x0  }
0x1e: {  	[sflag:s17] =	ssyncadd.s32 $0xFFFFEC40  }
0x1f: {  	_ =	swait.ge [sflag:s17], $0x2880  }
0x20: {  	[sflag:s17] =	ssyncset.done $0x0  }
0x21: {  	[sflag:s17] =	ssyncadd.s32 $0xFFFFD780  }
0x22: {  	_ =	swait.ge [sflag:s17], $0x2880  }
0x23: {  	[sflag:s17] =	ssyncset.done $0x0  }
0x24: {  	[sflag:s17] =	ssyncadd.s32 $0xFFFFD780  }
0x25: {  	[bflag:$0x0] =	sbarrier.arrive $0xFFFF  }
0x26: {  	[tilespmem:s19], [sflag:$0x1] =	stream.indirect.gather [spmem:s2], $0x40, s4, s18, $0xb8;
	[tilespmem:$0x1EB40] =	vst v63  }
0x27: {  	_ = 	snop  }
0x28: {  	[tilespmem:s20], [sflag:$0x2] =	stream.indirect.gather [spmem:s2], $0x40, s18, s18, $0xb8;
	[tilespmem:$0x1EB40] =	vst v63  }
0x29: {  	_ =	swait.ge [sflag:s17], $0x2000  }
0x2a: {  	[sflag:s17] =	ssyncset.done $0x0  }
0x2b: {  	[sflag:s17] =	ssyncadd.s32 $0xFFFFE000  }
0x2c: {  	[spmem:s3] =	stream.indirect.scatter.add.f32 [tilespmem:s19], [sflag:$0x4], $0x40, s16, s18, $0xb8;
	[tilespmem:$0x1EB40] =	vst v63  }
0x2d: {  	s21 =	simm.s32 $0x100  }
0x2e: {  	[tilespmem:s22], [sflag:$0x3] =	stream.indirect.gather [spmem:s2], $0x40, s21, s18, $0xb8;
	[tilespmem:$0x1EB40] =	vst v63  }
0x2f: {  	_ =	swait.ge [sflag:s23], $0x2000  }
0x30: {  	[sflag:s23] =	ssyncset.done $0x0  }
0x31: {  	s21 =	simm.s32 $0x2900;
	[sflag:s23] =	ssyncadd.s32 $0xFFFFE000  }
0x32: {  	[spmem:s3] =	stream.indirect.scatter.add.f32 [tilespmem:s20], [sflag:$0x5], $0x40, s21, s18, $0xb8;
	[tilespmem:$0x1EB40] =	vst v63  }
0x33: {  	_ =	swait.ge [sflag:s25], $0x2000  }
0x34: {  	[sflag:s25] =	ssyncset.done $0x0  }
0x35: {  	s21 =	simm.s32 $0x180;
	[sflag:s25] =	ssyncadd.s32 $0xFFFFE000  }
0x36: {  	[tilespmem:s19], [sflag:$0x1] =	stream.indirect.gather [spmem:s2], $0x40, s21, s18, $0xb8;
	[tilespmem:$0x1EB40] =	vst v63  }
0x37: {  	_ =	swait.ge [sflag:s28], $0x2000  }
0x38: {  	[sflag:s28] =	ssyncset.done $0x0  }
0x39: {  	s21 =	simm.s32 $0x2980;
	[sflag:s28] =	ssyncadd.s32 $0xFFFFE000  }
0x3a: {  	[spmem:s3] =	stream.indirect.scatter.add.f32 [tilespmem:s22], [sflag:$0x6], $0x40, s21, s18, $0xb8;
	[tilespmem:$0x1EB40] =	vst v63  }
0x3b: {  	_ =	swait.ge [sflag:s30], $0x2000  }
0x3c: {  	[sflag:s30] =	ssyncset.done $0x0  }
0x3d: {  	s21 =	simm.s32 $0x200;
	[sflag:s30] =	ssyncadd.s32 $0xFFFFE000  }
0x3e: {  	[tilespmem:s20], [sflag:$0x2] =	stream.indirect.gather [spmem:s2], $0x40, s21, s18, $0xb8;
	[tilespmem:$0x1EB40] =	vst v63  }
0x3f: {  	_ =	swait.ge [sflag:s17], $0x2000  }
0x40: {  	[sflag:s17] =	ssyncset.done $0x0  }
0x41: {  	s21 =	simm.s32 $0x2A00;
	[sflag:s17] =	ssyncadd.s32 $0xFFFFE000  }
0x42: {  	[spmem:s3] =	stream.indirect.scatter.add.f32 [tilespmem:s19], [sflag:$0x4], $0x40, s21, s18, $0xb8;
	[tilespmem:$0x1EB40] =	vst v63  }
0x43: {  	_ =	swait.ge [sflag:s0], $0x2000  }
0x44: {  	[sflag:s0] =	ssyncset.done $0x0  }
0x45: {  	s21 =	simm.s32 $0x280;
	[sflag:s0] =	ssyncadd.s32 $0xFFFFE000  }
0x46: {  	[tilespmem:s22], [sflag:$0x3] =	stream.indirect.gather [spmem:s2], $0x40, s21, s18, $0xb8;
	[tilespmem:$0x1EB40] =	vst v63  }
0x47: {  	_ =	swait.ge [sflag:s23], $0x2000  }
0x48: {  	[sflag:s23] =	ssyncset.done $0x0  }
0x49: {  	[sflag:s23] =	ssyncadd.s32 $0xFFFFE000  }
0x4a: {  	[spmem:s3] =	stream.indirect.scatter.add.f32 [tilespmem:s20], [sflag:$0x5], $0x40, s24, s18, $0xb8;
	[tilespmem:$0x1EB40] =	vst v63  }
0x4b: {  	_ =	swait.ge [sflag:s25], $0x2000  }
0x4c: {  	[sflag:s25] =	ssyncset.done $0x0  }
0x4d: {  	s21 =	simm.s32 $0x300;
	[sflag:s25] =	ssyncadd.s32 $0xFFFFE000  }
0x4e: {  	[tilespmem:s19], [sflag:$0x1] =	stream.indirect.gather [spmem:s2], $0x40, s21, s18, $0xb8;
	[tilespmem:$0x1EB40] =	vst v63  }
0x4f: {  	_ =	swait.ge [sflag:s28], $0x2000  }
0x50: {  	[sflag:s28] =	ssyncset.done $0x0  }
0x51: {  	s21 =	simm.s32 $0x2B00;
	[sflag:s28] =	ssyncadd.s32 $0xFFFFE000  }
0x52: {  	[spmem:s3] =	stream.indirect.scatter.add.f32 [tilespmem:s22], [sflag:$0x6], $0x40, s21, s18, $0xb8;
	[tilespmem:$0x1EB40] =	vst v63  }
0x53: {  	_ =	swait.ge [sflag:s30], $0x2000  }
0x54: {  	[sflag:s30] =	ssyncset.done $0x0  }
0x55: {  	s21 =	simm.s32 $0x380;
	[sflag:s30] =	ssyncadd.s32 $0xFFFFE000  }
0x56: {  	[tilespmem:s20], [sflag:$0x2] =	stream.indirect.gather [spmem:s2], $0x40, s21, s18, $0xb8;
	[tilespmem:$0x1EB40] =	vst v63  }
0x57: {  	_ =	swait.ge [sflag:s17], $0x2000  }
0x58: {  	[sflag:s17] =	ssyncset.done $0x0  }
0x59: {  	s21 =	simm.s32 $0x2B80;
	[sflag:s17] =	ssyncadd.s32 $0xFFFFE000  }
0x5a: {  	[spmem:s3] =	stream.indirect.scatter.add.f32 [tilespmem:s19], [sflag:$0x4], $0x40, s21, s18, $0xb8;
	[tilespmem:$0x1EB40] =	vst v63  }
0x5b: {  	_ =	swait.ge [sflag:s0], $0x2000  }
0x5c: {  	[sflag:s0] =	ssyncset.done $0x0  }
0x5d: {  	s21 =	simm.s32 $0x400;
	[sflag:s0] =	ssyncadd.s32 $0xFFFFE000  }
0x5e: {  	[tilespmem:s22], [sflag:$0x3] =	stream.indirect.gather [spmem:s2], $0x40, s21, s18, $0xb8;
	[tilespmem:$0x1EB40] =	vst v63  }
0x5f: {  	_ =	swait.ge [sflag:s23], $0x2000  }
0x60: {  	[sflag:s23] =	ssyncset.done $0x0  }
0x61: {  	s31 =	simm.s32 $0x600;
	s1 =	simm.s32 $0x2C00;
	[sflag:s23] =	ssyncadd.s32 $0xFFFFE000  }
.LBB2_2:
0x62: {  	[spmem:s3] =	stream.indirect.scatter.add.f32 [tilespmem:s20], [sflag:$0x5], $0x40, s1, s18, $0xb8;
	[tilespmem:$0x1EB40] =	vst v63  }
0x63: {  	s1 =	smov.u32 s31;
	s31 =	sadd.s32 $0x600, s31;
	_ =	swait.ge [sflag:s25], $0x2000  }
0x64: {  	s1 =	sshra.s32 s1, $0x2;
	p1 =	sne.s32 s31, $0x9600;
	[sflag:s25] =	ssyncset.done $0x0  }
0x65: {  	s21 =	sadd.s32 $0x300, s1;
	[sflag:s25] =	ssyncadd.s32 $0xFFFFE000  }
0x66: {  	[tilespmem:s19], [sflag:$0x1] =	stream.indirect.gather [spmem:s2], $0x40, s21, s18, $0xb8;
	[tilespmem:$0x1EB40] =	vst v63  }
0x67: {  	_ =	swait.ge [sflag:s28], $0x2000  }
0x68: {  	[sflag:s28] =	ssyncset.done $0x0  }
0x69: {  	s21 =	sadd.s32 $0x2B00, s1;
	[sflag:s28] =	ssyncadd.s32 $0xFFFFE000  }
0x6a: {  	[spmem:s3] =	stream.indirect.scatter.add.f32 [tilespmem:s22], [sflag:$0x6], $0x40, s21, s18, $0xb8;
	[tilespmem:$0x1EB40] =	vst v63  }
0x6b: {  	_ =	swait.ge [sflag:s30], $0x2000  }
0x6c: {  	[sflag:s30] =	ssyncset.done $0x0  }
0x6d: {  	s21 =	sadd.s32 $0x380, s1;
	[sflag:s30] =	ssyncadd.s32 $0xFFFFE000  }
0x6e: {  	[tilespmem:s20], [sflag:$0x2] =	stream.indirect.gather [spmem:s2], $0x40, s21, s18, $0xb8;
	[tilespmem:$0x1EB40] =	vst v63  }
0x6f: {  	_ =	swait.ge [sflag:s17], $0x2000  }
0x70: {  	[sflag:s17] =	ssyncset.done $0x0  }
0x71: {  	s21 =	sadd.s32 $0x2B80, s1;
	[sflag:s17] =	ssyncadd.s32 $0xFFFFE000  }
0x72: {  	[spmem:s3] =	stream.indirect.scatter.add.f32 [tilespmem:s19], [sflag:$0x4], $0x40, s21, s18, $0xb8;
	[tilespmem:$0x1EB40] =	vst v63  }
0x73: {  	_ =	swait.ge [sflag:s0], $0x2000  }
0x74: {  	[sflag:s0] =	ssyncset.done $0x0  }
.Ltmp0:
0x75: {  	s21 =	sadd.s32 $0x400, s1;
	[sflag:s0] =	ssyncadd.s32 $0xFFFFE000;
	(pc) =	sbr.rel @p1 .LBB2_2-.Ltmp0, $4  }
0x76: {  	[tilespmem:s22], [sflag:$0x3] =	stream.indirect.gather [spmem:s2], $0x40, s21, s18, $0xb8;
	[tilespmem:$0x1EB40] =	vst v63  }
0x77: {  	_ =	swait.ge [sflag:s23], $0x2000  }
0x78: {  	[sflag:s23] =	ssyncset.done $0x0  }
0x79: {  	s1 =	sadd.s32 $0x2C00, s1;
	[sflag:s23] =	ssyncadd.s32 $0xFFFFE000  }
0x7a: {  	[spmem:s3] =	stream.indirect.scatter.add.f32 [tilespmem:s20], [sflag:$0x5], $0x40, s1, s18, $0xb8;
	[tilespmem:$0x1EB40] =	vst v63  }
0x7b: {  	_ =	swait.ge [sflag:s28], $0x2000  }
0x7c: {  	s21 =	sshra.s32 s31, $0x2;
	[sflag:s28] =	ssyncset.done $0x0  }
0x7d: {  	s1 =	sadd.s32 $0x2B00, s21;
	[sflag:s28] =	ssyncadd.s32 $0xFFFFE000  }
0x7e: {  	[spmem:s3] =	stream.indirect.scatter.add.f32 [tilespmem:s22], [sflag:$0x6], $0x40, s1, s18, $0xb8;
	[tilespmem:$0x1EB40] =	vst v63  }
0x7f: {  	_ =	swait.ge [sflag:s25], $0x2000  }
0x80: {  	[sflag:s25] =	ssyncset.done $0x0  }
0x81: {  	[sflag:s25] =	ssyncadd.s32 $0xFFFFE000  }
0x82: {  	_ =	swait.ge [sflag:s30], $0x2000  }
0x83: {  	[sflag:s30] =	ssyncset.done $0x0  }
0x84: {  	[sflag:s30] =	ssyncadd.s32 $0xFFFFE000  }
0x85: {  	_ =	swait.ge [sflag:s0], $0x2000  }
0x86: {  	s29 =	sadd.s32 $0x1, s29;
	[sflag:s0] =	ssyncset.done $0x0  }
0x87: {  	p1 =	sne.s32 s29, s10;
	[sflag:s0] =	ssyncadd.s32 $0xFFFFE000  }
.Ltmp1:
0x88: {  	s31 =	sor.u32 $0x1C07, s12;
	[bflag:$0x0] =	sbarrier.arrive $0xFFFF;
	(pc) =	sbr.rel @p1 .LBB2_1-.Ltmp1, $4  }
0x89: {  	[hbm:s9], [sflag:s31] =	dma.local [spmem:s15], $0x13C0  }
0x8a: {  	_ =	swait.ge [sflag:s26], $0x13C0  }
0x8b: {  	[sflag:s26] =	ssyncset.done $0x0  }
0x8c: {  	[sflag:s26] =	ssyncadd.s32 $0xFFFFEC40  }
0x8d: {  	_ =	sfence.sel $0x180000  }
0x8e: {  	[bflag:$0x0] =	sbarrier.arrive $0xFFFF  }
0x8f: {  	_ =	strace $0x9000004A  }
0x90: {  	s0 =	stileid.u32;
	[bflag:$0x2] =	sbarrier.arrive $0xFFFF  }
0x91: {  	p0 =	sne.s32 s0, $0x0;
	s0 =	rddreg [dreg:$0x3]  }
0x92: {  	s0 =	sadd.s32 @!p0 $0x100000, s0  }
0x93: {  	[sflag:s0] =	ssyncadd.tile.s32 @!p0 $0x1;
	_ =	shalt  }
.Lfunc_end2:
_tile_overlayer_lowered:
.L_overlay_start_2:
0x94: {  	(tag) =	ssettag $0x2  }
0x95: {  	s0 =	rddreg [dreg:$0x0];
	s2 =	stileid.u32  }
0x96: {  	s1 =	rddreg [dreg:$0x1];
	p0 =	sne.s32 s2, $0x0  }
0x97: {  	s3 =	rddreg [dreg:$0x2];
	[bflag:$0x3] =	sbarrier.arrive $0xFFFF;
	s2 =	simm.s32 @!p0 $0x1C07  }
0x98: {  	[timem:s3], [sflag:s2] =	dma.local @!p0 [hbm:s0], s1  }
0x99: {  	s0 =	simm.s32 @!p0 $0x7  }
0x9a: {  	_ =	swait.ge @!p0 [sflag:s0], s1  }
0x9b: {  	s1 =	ssub.s32 @!p0 $0x0, s1;
	[sflag:s0] =	ssyncset.done @!p0 $0x0  }
0x9c: {  	[sflag:s0] =	ssyncadd.s32 @!p0 s1  }
0x9d: {  	[bflag:$0x3] =	sbarrier.arrive $0xFFFF  }
0x9e: {  	_ =	shalt  }

// kernel: kernel.14.cloned.1.call-start
scs
__scs_entry_jumppad:
0x0: {  	(pc) =	sbr.rel $0x88, $3  }
0x1: {  	(tag) =	ssettag $0x0;
	lr =	simm.s32 $0x1  }
0x2: {  	[smem:$0x3F9B] =	sst lr;
	_ =	strace $0xD0000000  }
0x3: {  	_ = 	snop  }
0x4: {  	_ = 	snop  }
0x5: {  	_ = 	snop  }
0x6: {  	_ = 	snop  }
0x7: {  	_ = 	snop  }
__scs_overlays_trampoline_lowered:
0x8: {  	[smem:$0x3FAA] =	sst s0  }
0x9: {  	[smem:$0x3FAB] =	sst s1  }
0xa: {  	[smem:$0x3FAC] =	sst s2  }
0xb: {  	[smem:$0x3FAD] =	sst s3  }
0xc: {  	[smem:$0x3FAE] =	sst s4  }
0xd: {  	[smem:$0x3FAF] =	sst s5  }
0xe: {  	[smem:$0x3FB0] =	sst s6  }
0xf: {  	[smem:$0x3FB1] =	sst s7  }
0x10: {  	[smem:$0x3FB2] =	sst s8  }
0x11: {  	[smem:$0x3FB3] =	sst s9;
	s0 =	simm.s32 @!p0 $0x0  }
0x12: {  	s1 =	sld [smem:$0x3F99];
	s0 =	simm.s32 @p0 $0x1  }
0x13: {  	[smem:$0x3FB4] =	sst s0;
	s0 =	simm.s32 @!p1 $0x0  }
0x14: {  	s2 =	sld [smem:$0x3F98];
	s0 =	simm.s32 @p1 $0x1  }
0x15: {  	[smem:$0x3FB5] =	sst s0;
	s0 =	simm.s32 @!p2 $0x0  }
0x16: {  	s3 =	sld [smem:$0x3FDB];
	s0 =	simm.s32 @p2 $0x1  }
0x17: {  	s4 =	simm.s32 $0x1BF5;
	[smem:$0x3FB7] =	sst s0  }
0x18: {  	s0 =	sld [smem:$0x3F9A];
	_ =	swait.ge [sflag:s4], $0x0  }
0x19: {  	s7 =	sld [smem:$0x3F9B]  }
0x1a: {  	s8 =	sadd.s32 $0xFFFFE003, lr  }
0x1b: {  	s9 =	sadd.s32 $0xFFFFFEF7, lr;
	s5 =	simm.s32 $0xFFFFFFFF;
	p2 =	slt.u32 s8, $0xFFFFF086  }
0x1c: {  	p1 =	slt.u32 s9, $0xF7A;
	s5 =	simm.s32 @!p2 $0x0  }
0x1d: {  	s5 =	simm.s32 @p1 $0x1;
	p0 =	seq.s32 s7, s2  }
0x1e: {  	s7 =	smul.u32 @!p0 $0xF7A, s2;
	p2 =	seq.s32 @!p0 s5, $0x0  }
0x1f: {  	s9 =	smul.u32 $0xF7A, s1;
	s8 =	simm.s32 @!p0 $0x1BF5;
	p2 =	por !p2, p0  }
0x20: {  	[sflag:s8] =	ssyncset.s32 @!p0 $0xFFFFF086;
	s6 =	sadd.s32 @!p0 s3, s7;
	s7 =	simm.s32 @!p0 $0x108  }
0x21: {  	s3 =	sadd.s32 s3, s9;
	s6 =	sadd.s32 @!p0 $0x88, s6;
	s7 =	simm.s32 @p2 $0x1082  }
0x22: {  	[simem:s7], [sflag:s8] =	dma.local @!p0 [hbm:s6], $0xF7A  }
0x23: {  	s9 =	sor.u32 $0xD0000000, s2;
	s6 =	simm.s32 $0x108;
	_ =	swait.ge @!p0 [sflag:s8], $0x0  }
0x24: {  	s3 =	sadd.s32 $0x88, s3;
	s6 =	simm.s32 @!p1 $0x1082;
	[sflag:s4] =	ssyncset.s32 $0xFFFFF086  }
0x25: {  	[simem:s6], [sflag:s4] =	dma.local [hbm:s3], $0xF7A  }
0x26: {  	[smem:$0x3F9B] =	sst s1;
	(tag) =	ssettag s2;
	_ =	strace s9  }
0x27: {  	s1 =	sld [smem:$0x3FAB]  }
0x28: {  	s2 =	sld [smem:$0x3FAC]  }
0x29: {  	s4 =	sld [smem:$0x3FAE]  }
0x2a: {  	p0 =	seq.s32 s5, $0x0;
	s5 =	sld [smem:$0x3FAF]  }
0x2b: {  	s6 =	sld [smem:$0x3FB0]  }
0x2c: {  	s7 =	sld [smem:$0x3FB1]  }
0x2d: {  	s3 =	simm.s32 $0x108;
	s8 =	sld [smem:$0x3FB2]  }
0x2e: {  	s3 =	simm.s32 @!p0 $0x1082;
	s9 =	sld [smem:$0x3FB3]  }
0x2f: {  	lr =	sadd.s32 s0, s3;
	s0 =	sld [smem:$0x3FAA]  }
0x30: {  	s3 =	sld [smem:$0x3FAD]  }
0x31: {  	[smem:$0x3FB6] =	sst s10  }
0x32: {  	s10 =	sld [smem:$0x3FB4];
	_ =	sdelay $0x3  }
0x33: {  	p0 =	seq.s32 s10, $0x1;
	s10 =	sld [smem:$0x3FB6];
	_ =	sdelay $0x3  }
0x34: {  	[smem:$0x3FB6] =	sst s10  }
0x35: {  	s10 =	sld [smem:$0x3FB5];
	_ =	sdelay $0x3  }
0x36: {  	p1 =	seq.s32 s10, $0x1;
	s10 =	sld [smem:$0x3FB6];
	_ =	sdelay $0x3  }
0x37: {  	[smem:$0x3FB6] =	sst s10  }
0x38: {  	s10 =	sld [smem:$0x3FB7]  }
0x39: {  	_ = 	snop;
	(pc) =	sbr.ind lr, $3  }
0x3a: {  	_ = 	snop  }
0x3b: {  	_ = 	snop  }
0x3c: {  	p2 =	seq.s32 s10, $0x1;
	s10 =	sld [smem:$0x3FB6]  }
0x3d: {  	_ =	shalt  }
0x3e: {  	_ =	shalt  }
0x3f: {  	_ =	shalt  }
0x40: {  	_ =	shalt  }
0x41: {  	_ =	shalt  }
0x42: {  	_ =	shalt  }
0x43: {  	_ =	shalt  }
0x44: {  	_ =	shalt  }
0x45: {  	_ =	shalt  }
0x46: {  	_ =	shalt  }
0x47: {  	_ =	shalt  }
0x48: {  	_ =	shalt  }
0x49: {  	_ =	shalt  }
0x4a: {  	_ =	shalt  }
0x4b: {  	_ =	shalt  }
0x4c: {  	_ =	shalt  }
0x4d: {  	_ =	shalt  }
0x4e: {  	_ =	shalt  }
0x4f: {  	_ =	shalt  }
0x50: {  	_ =	shalt  }
0x51: {  	_ =	shalt  }
0x52: {  	_ =	shalt  }
0x53: {  	_ =	shalt  }
0x54: {  	_ =	shalt  }
0x55: {  	_ =	shalt  }
0x56: {  	_ =	shalt  }
0x57: {  	_ =	shalt  }
0x58: {  	_ =	shalt  }
0x59: {  	_ =	shalt  }
0x5a: {  	_ =	shalt  }
0x5b: {  	_ =	shalt  }
0x5c: {  	_ =	shalt  }
0x5d: {  	_ =	shalt  }
0x5e: {  	_ =	shalt  }
0x5f: {  	_ =	shalt  }
0x60: {  	_ =	shalt  }
0x61: {  	_ =	shalt  }
0x62: {  	_ =	shalt  }
0x63: {  	_ =	shalt  }
0x64: {  	_ =	shalt  }
0x65: {  	_ =	shalt  }
0x66: {  	_ =	shalt  }
0x67: {  	_ =	shalt  }
0x68: {  	_ =	shalt  }
0x69: {  	_ =	shalt  }
0x6a: {  	_ =	shalt  }
0x6b: {  	_ =	shalt  }
0x6c: {  	_ =	shalt  }
0x6d: {  	_ =	shalt  }
0x6e: {  	_ =	shalt  }
0x6f: {  	_ =	shalt  }
0x70: {  	_ =	shalt  }
0x71: {  	_ =	shalt  }
0x72: {  	_ =	shalt  }
0x73: {  	_ =	shalt  }
0x74: {  	_ =	shalt  }
0x75: {  	_ =	shalt  }
0x76: {  	_ =	shalt  }
0x77: {  	_ =	shalt  }
0x78: {  	_ =	shalt  }
0x79: {  	_ =	shalt  }
0x7a: {  	_ =	shalt  }
0x7b: {  	_ =	shalt  }
0x7c: {  	_ =	shalt  }
0x7d: {  	_ =	shalt  }
0x7e: {  	_ =	shalt  }
0x7f: {  	_ =	shalt  }
0x80: {  	_ =	shalt  }
0x81: {  	_ =	shalt  }
0x82: {  	_ =	shalt  }
0x83: {  	_ =	shalt  }
0x84: {  	_ =	shalt  }
0x85: {  	_ =	shalt  }
0x86: {  	_ =	shalt  }
0x87: {  	_ =	shalt  }
.Lfunc_end0:
.L_simem_size_0:
called_computation.2_lowered:
.L_overlay_start_0:
0x88: {  	s2 =	sld [smem:$0x3FD9]  }
0x89: {  	s3 =	sld [smem:$0x3FFE];
	_ =	sdelay $0x1  }
0x8a: {  	s1 =	srdreg.scid  }
0x8b: {  	s0 =	sand.u32 $0x1, s1  }
0x8c: {  	s17 =	sshll.u32 s0, $0xA;
	s2 =	sadd.s32 s3, s2  }
0x8d: {  	s2 =	sadd.s32 s2, s17  }
0x8e: {  	[smem:$0x3FC2] =	sst s2  }
0x8f: {  	_ = 	snop  }
0x90: {  	s2 =	sld [smem:$0x3FD0];
	(tm) =	ssettm $0x1  }
0x91: {  	s18 =	sld [smem:$0x3FFB];
	_ =	sdelay $0x3  }
0x92: {  	_ =	strace s18  }
0x93: {  	s3 =	sld [smem:$0x3FFC];
	_ =	sdelay $0x3  }
0x94: {  	_ =	strace s3  }
0x95: {  	s3 =	sld [smem:$0x3FFD];
	_ =	sdelay $0x3  }
0x96: {  	_ =	strace s3  }
0x97: {  	_ =	strace $0x8FFFFFFF  }
0x98: {  	s19 =	sld [smem:$0x3FDB];
	_ =	sdelay $0x1  }
0x99: {  	s4 =	simm.s32 $_scs_section_size  }
0x9a: {  	s5 =	simm.s32 $_size__tile_overlayer_lowered;
	s6 =	simm.s32 $_tile_overlayer_lowered  }
0x9b: {  	s22 =	simm.s32 $0x1BFF;
	s21 =	sshll.u32 s6, $0x1;
	s3 =	sadd.s32 s4, s19  }
0x9c: {  	s7 =	simm.s32 $0x0;
	s20 =	sshll.u32 s5, $0x1;
	s5 =	sadd.s32 s21, s3  }
0x9d: {  	[timem:s7], [sflag:s22] =	dma.local [hbm:s5], s20  }
0x9e: {  	_ =	swait.ge [sflag:s22], s20  }
0x9f: {  	s4 =	ssub.s32 $0x0, s20;
	[sflag:s22] =	ssyncset.done $0x0  }
0xa0: {  	[sflag:s22] =	ssyncadd.s32 s4;
	_ =	sdelay $0x1  }
0xa1: {  	s23 =	simm.s32 $0x1B8B  }
0xa2: {  	_ =	swait.ge [sflag:s23], $0x1  }
0xa3: {  	[sflag:s23] =	ssyncset.done $0x0  }
0xa4: {  	s25 =	simm.s32 $0x1B8E;
	s24 =	sld [smem:$0x3FFE];
	[sflag:s23] =	ssyncadd.s32 $0xFFFFFFFF  }
0xa5: {  	s26 =	simm.s32 $execute0_lowered;
	[smem:$0x3FD2] =	sst s25  }
0xa6: {  	s5 =	sshll.u32 s26, $0x1;
	_ =	strace $0x8000004C;
	[dreg:$0x1] =	wrdreg $0xFFFFFFFF  }
0xa7: {  	s28 =	simm.s32 $_size_execute0_lowered;
	s3 =	sadd.s32 s3, s5;
	[dreg:$0x0] =	wrdreg $0x0  }
0xa8: {  	s5 =	sshll.u32 s28, $0x1;
	[dreg:$0x2] =	wrdreg s3  }
0xa9: {  	[dreg:$0x3] =	wrdreg s5  }
0xaa: {  	[dreg:$0x4] =	wrdreg $0xC0  }
0xab: {  	_ =	task [dreg:s7], $0x5FFFF  }
0xac: {  	[dreg:$0x1] =	wrdreg $0xFFFFFFFF  }
0xad: {  	[dreg:$0x0] =	wrdreg $0x60  }
0xae: {  	[dreg:$0x2] =	wrdreg s24  }
0xaf: {  	[dreg:$0x3] =	wrdreg s2  }
0xb0: {  	[dreg:$0x4] =	wrdreg $0x81000  }
0xb1: {  	[dreg:$0x5] =	wrdreg $0xCF200  }
0xb2: {  	[dreg:$0x6] =	wrdreg $0x9  }
0xb3: {  	_ =	task.clear_ibuf [dreg:s7], $0x7FFFF;
	_ =	strace $0x9000004C  }
0xb4: {  	s29 =	simm.s32 $0x9;
	_ =	strace $0x8000004E  }
0xb5: {  	_ =	swait.ge [sflag:s29], $0x1  }
0xb6: {  	[sflag:s29] =	ssyncadd.s32 $0xFFFFFFFF  }
0xb7: {  	_ =	strace $0x9000004E  }
0xb8: {  	_ =	sfence  }
0xb9: {  	s30 =	sld [smem:$0x0];
	_ =	sdelay $0x2  }
0xba: {  	s31 =	sshll.u32 s1, $0xD;
	s1 =	sshrl.u32 s1, $0x2  }
0xbb: {  	s3 =	sand.u32 $0x4000, s31;
	s1 =	sadd.s32 s1, s30  }
0xbc: {  	s0 =	sor.u32 s3, s0;
	s1 =	sshll.u32 s1, $0x11  }
0xbd: {  	s0 =	sor.u32 s1, s0  }
0xbe: {  	s0 =	sadd.s32 $0x8F2B, s0  }
0xbf: {  	[sflag:s0] =	ssyncadd.remote.s32 $0x1  }
0xc0: {  	_ =	sfence.sel $0xFFFF  }
0xc1: {  	[dreg:$0x0] =	wrdreg $0xFFFFFFFF;
	(pc) =	sbr.abs _section_cstart, $3  }
0xc2: {  	[dreg:$0x1] =	wrdreg $0xFFFFFFFF  }
0xc3: {  	_ =	task.clear_ibuf [dreg:s7], $0x2FFFF;
	_ =	strace $0x9FFFFFFF  }
0xc4: {  	(tm) =	ssettm $0x7FFFFFFF  }
0xc5: {  	_ =	shalt  }
tec
execute0_lowered:
.L_overlay_start_1:
0x0: {  	(tag) =	ssettag $0x1  }
0x1: {  	s0 =	rddreg [dreg:$0x0]  }
0x2: {  	s1 =	rddreg [dreg:$0x1]  }
0x3: {  	s2 =	rddreg [dreg:$0x2]  }
0x4: {  	s3 =	rddreg [dreg:$0x3]  }
0x5: {  	s14 =	stileid.u32;
	s4 =	srdreg.scid;
	s16 =	simm.s32 $0x2880  }
0x6: {  	s17 =	simm.s32 $0x1;
	s18 =	simm.s32 $0x80;
	s19 =	simm.s32 $0x5100  }
0x7: {  	s20 =	simm.s32 $0x6100;
	s22 =	simm.s32 $0x7100;
	s23 =	simm.s32 $0x2  }
0x8: {  	s28 =	simm.s32 $0x3;
	s30 =	simm.s32 $0x5;
	s24 =	simm.s32 $0x2A80  }
0x9: {  	s29 =	simm.s32 $0x0;
	s5 =	smul.u32 $0x7D00, s14;
	s6 =	sand.u32 $0x1, s4  }
0xa: {  	s4 =	simm.s32 $0x0;
	s8 =	smul.u32 $0x4F00, s14;
	p0 =	sgt.u32 s14, $0x9  }
0xb: {  	s7 =	sshll.u32 s6, $0x4;
	[smem:$0x7FF] =	sst s4;
	s9 =	smul.u32 $0x4F000, s6  }
0xc: {  	s6 =	ssub.s32 $0x2, s6;
	s7 =	sor.u32 s14, s7;
	_ =	strace $0x8000004D  }
0xd: {  	s10 =	sshrl.u32 s5, $0x3;
	s26 =	sshrl.u32 s6, $0x1;
	s13 =	sadd.s32 s5, s2  }
0xe: {  	s15 =	sadd.s32 s8, s3;
	s31 =	sshrl.u32 s8, $0x3;
	s7 =	smul.u32 $0x510, s7  }
0xf: {  	s10 =	sadd.s32 s10, s0;
	s9 =	sadd.s32 s8, s9;
	s12 =	ssub.s32 s6, s26  }
0x10: {  	s6 =	sadd.s32 s1, s31;
	s13 =	sshrl.u32 @!p0 s13, $0x3;
	s15 =	sshrl.u32 s15, $0x3  }
0x11: {  	s1 =	simm.s32 $0x6;
	s26 =	simm.s32 $0x7;
	s25 =	sshrl.u32 s9, $0x3  }
0x12: {  	s5 =	sadd.s32 $0x16200, s10;
	s10 =	smax.u32 s12, $0x1;
	s12 =	sshll.u32 s14, $0x6  }
0x13: {  	s11 =	sadd.s32 s7, s0;
	s0 =	sadd.s32 s25, s0;
	s25 =	simm.s32 $0x4  }
0x14: {  	s7 =	sadd.s32 $0xC000, s11;
	s9 =	sadd.s32 $0x20000, s0;
	s0 =	sshll.u32 @!p0 s14, $0x6  }
0x15: {  	s8 =	sadd.s32 $0x1600, s11;
	s14 =	sor.u32 $0x1C01, s12;
	s11 =	sor.u32 @!p0 $0x1C01, s0  }
.LBB2_1:
0x16: {  	[spmem:s13], [sflag:s11] =	dma.local @!p0 [hbm:s5], $0xFA0  }
0x17: {  	[spmem:s15], [sflag:s14] =	dma.local [hbm:s6], $0x9E0  }
0x18: {  	[tilespmem:s4], [sflag:$0x1] =	stream.linear.gather [hbm4b:s7+s4], $0x2880, $0x38;
	[tilespmem:$0x11E20] =	vst v63  }
0x19: {  	s0 =	simm.s32 @!p0 $0x1  }
0x1a: {  	[tilespmem:s16], [sflag:$0x1] =	stream.linear.gather [hbm4b:s8+s4], $0x2880, $0x38;
	[tilespmem:$0x11E20] =	vst v63  }
0x1b: {  	_ =	swait.ge @!p0 [sflag:s0], $0xFA0  }
0x1c: {  	[sflag:s0] =	ssyncset.done @!p0 $0x0  }
0x1d: {  	[sflag:s0] =	ssyncadd.s32 @!p0 $0xFFFFF060  }
0x1e: {  	_ =	swait.ge [sflag:s17], $0x9E0  }
0x1f: {  	[sflag:s17] =	ssyncset.done $0x0  }
0x20: {  	[sflag:s17] =	ssyncadd.s32 $0xFFFFF620  }
0x21: {  	_ =	swait.ge [sflag:s17], $0x2880  }
0x22: {  	[sflag:s17] =	ssyncset.done $0x0  }
0x23: {  	[sflag:s17] =	ssyncadd.s32 $0xFFFFD780  }
0x24: {  	_ =	swait.ge [sflag:s17], $0x2880  }
0x25: {  	[sflag:s17] =	ssyncset.done $0x0  }
0x26: {  	[sflag:s17] =	ssyncadd.s32 $0xFFFFD780  }
0x27: {  	[bflag:$0x0] =	sbarrier.arrive $0xFFFF  }
0x28: {  	[tilespmem:s19], [sflag:$0x1] =	stream.indirect.gather [spmem:s2], $0x20, s4, s18, $0xb8;
	[tilespmem:$0x11E20] =	vst v63  }
0x29: {  	_ = 	snop  }
0x2a: {  	[tilespmem:s20], [sflag:$0x2] =	stream.indirect.gather [spmem:s2], $0x20, s18, s18, $0xb8;
	[tilespmem:$0x11E20] =	vst v63  }
0x2b: {  	_ =	swait.ge [sflag:s17], $0x1000  }
0x2c: {  	[sflag:s17] =	ssyncset.done $0x0  }
0x2d: {  	[sflag:s17] =	ssyncadd.s32 $0xFFFFF000  }
0x2e: {  	[spmem:s3] =	stream.indirect.scatter.add.f32 [tilespmem:s19], [sflag:$0x4], $0x20, s16, s18, $0xb8;
	[tilespmem:$0x11E20] =	vst v63  }
0x2f: {  	s21 =	simm.s32 $0x100  }
0x30: {  	[tilespmem:s22], [sflag:$0x3] =	stream.indirect.gather [spmem:s2], $0x20, s21, s18, $0xb8;
	[tilespmem:$0x11E20] =	vst v63  }
0x31: {  	_ =	swait.ge [sflag:s23], $0x1000  }
0x32: {  	[sflag:s23] =	ssyncset.done $0x0  }
0x33: {  	s21 =	simm.s32 $0x2900;
	[sflag:s23] =	ssyncadd.s32 $0xFFFFF000  }
0x34: {  	[spmem:s3] =	stream.indirect.scatter.add.f32 [tilespmem:s20], [sflag:$0x5], $0x20, s21, s18, $0xb8;
	[tilespmem:$0x11E20] =	vst v63  }
0x35: {  	_ =	swait.ge [sflag:s25], $0x1000  }
0x36: {  	[sflag:s25] =	ssyncset.done $0x0  }
0x37: {  	s21 =	simm.s32 $0x180;
	[sflag:s25] =	ssyncadd.s32 $0xFFFFF000  }
0x38: {  	[tilespmem:s19], [sflag:$0x1] =	stream.indirect.gather [spmem:s2], $0x20, s21, s18, $0xb8;
	[tilespmem:$0x11E20] =	vst v63  }
0x39: {  	_ =	swait.ge [sflag:s28], $0x1000  }
0x3a: {  	[sflag:s28] =	ssyncset.done $0x0  }
0x3b: {  	s21 =	simm.s32 $0x2980;
	[sflag:s28] =	ssyncadd.s32 $0xFFFFF000  }
0x3c: {  	[spmem:s3] =	stream.indirect.scatter.add.f32 [tilespmem:s22], [sflag:$0x6], $0x20, s21, s18, $0xb8;
	[tilespmem:$0x11E20] =	vst v63  }
0x3d: {  	_ =	swait.ge [sflag:s30], $0x1000  }
0x3e: {  	[sflag:s30] =	ssyncset.done $0x0  }
0x3f: {  	s21 =	simm.s32 $0x200;
	[sflag:s30] =	ssyncadd.s32 $0xFFFFF000  }
0x40: {  	[tilespmem:s20], [sflag:$0x2] =	stream.indirect.gather [spmem:s2], $0x20, s21, s18, $0xb8;
	[tilespmem:$0x11E20] =	vst v63  }
0x41: {  	_ =	swait.ge [sflag:s17], $0x1000  }
0x42: {  	[sflag:s17] =	ssyncset.done $0x0  }
0x43: {  	s21 =	simm.s32 $0x2A00;
	[sflag:s17] =	ssyncadd.s32 $0xFFFFF000  }
0x44: {  	[spmem:s3] =	stream.indirect.scatter.add.f32 [tilespmem:s19], [sflag:$0x4], $0x20, s21, s18, $0xb8;
	[tilespmem:$0x11E20] =	vst v63  }
0x45: {  	_ =	swait.ge [sflag:s1], $0x1000  }
0x46: {  	[sflag:s1] =	ssyncset.done $0x0  }
0x47: {  	s21 =	simm.s32 $0x280;
	[sflag:s1] =	ssyncadd.s32 $0xFFFFF000  }
0x48: {  	[tilespmem:s22], [sflag:$0x3] =	stream.indirect.gather [spmem:s2], $0x20, s21, s18, $0xb8;
	[tilespmem:$0x11E20] =	vst v63  }
0x49: {  	_ =	swait.ge [sflag:s23], $0x1000  }
0x4a: {  	[sflag:s23] =	ssyncset.done $0x0  }
0x4b: {  	[sflag:s23] =	ssyncadd.s32 $0xFFFFF000  }
0x4c: {  	[spmem:s3] =	stream.indirect.scatter.add.f32 [tilespmem:s20], [sflag:$0x5], $0x20, s24, s18, $0xb8;
	[tilespmem:$0x11E20] =	vst v63  }
0x4d: {  	_ =	swait.ge [sflag:s25], $0x1000  }
0x4e: {  	[sflag:s25] =	ssyncset.done $0x0  }
0x4f: {  	s21 =	simm.s32 $0x300;
	[sflag:s25] =	ssyncadd.s32 $0xFFFFF000  }
0x50: {  	[tilespmem:s19], [sflag:$0x1] =	stream.indirect.gather [spmem:s2], $0x20, s21, s18, $0xb8;
	[tilespmem:$0x11E20] =	vst v63  }
0x51: {  	_ =	swait.ge [sflag:s28], $0x1000  }
0x52: {  	[sflag:s28] =	ssyncset.done $0x0  }
0x53: {  	s21 =	simm.s32 $0x2B00;
	[sflag:s28] =	ssyncadd.s32 $0xFFFFF000  }
0x54: {  	[spmem:s3] =	stream.indirect.scatter.add.f32 [tilespmem:s22], [sflag:$0x6], $0x20, s21, s18, $0xb8;
	[tilespmem:$0x11E20] =	vst v63  }
0x55: {  	_ =	swait.ge [sflag:s30], $0x1000  }
0x56: {  	[sflag:s30] =	ssyncset.done $0x0  }
0x57: {  	s21 =	simm.s32 $0x380;
	[sflag:s30] =	ssyncadd.s32 $0xFFFFF000  }
0x58: {  	[tilespmem:s20], [sflag:$0x2] =	stream.indirect.gather [spmem:s2], $0x20, s21, s18, $0xb8;
	[tilespmem:$0x11E20] =	vst v63  }
0x59: {  	_ =	swait.ge [sflag:s17], $0x1000  }
0x5a: {  	[sflag:s17] =	ssyncset.done $0x0  }
0x5b: {  	s21 =	simm.s32 $0x2B80;
	[sflag:s17] =	ssyncadd.s32 $0xFFFFF000  }
0x5c: {  	[spmem:s3] =	stream.indirect.scatter.add.f32 [tilespmem:s19], [sflag:$0x4], $0x20, s21, s18, $0xb8;
	[tilespmem:$0x11E20] =	vst v63  }
0x5d: {  	_ =	swait.ge [sflag:s1], $0x1000  }
0x5e: {  	[sflag:s1] =	ssyncset.done $0x0  }
0x5f: {  	s21 =	simm.s32 $0x400;
	[sflag:s1] =	ssyncadd.s32 $0xFFFFF000  }
0x60: {  	[tilespmem:s22], [sflag:$0x3] =	stream.indirect.gather [spmem:s2], $0x20, s21, s18, $0xb8;
	[tilespmem:$0x11E20] =	vst v63  }
0x61: {  	_ =	swait.ge [sflag:s23], $0x1000  }
0x62: {  	[sflag:s23] =	ssyncset.done $0x0  }
0x63: {  	s31 =	simm.s32 $0x600;
	s0 =	simm.s32 $0x2C00;
	[sflag:s23] =	ssyncadd.s32 $0xFFFFF000  }
.LBB2_2:
0x64: {  	[spmem:s3] =	stream.indirect.scatter.add.f32 [tilespmem:s20], [sflag:$0x5], $0x20, s0, s18, $0xb8;
	[tilespmem:$0x11E20] =	vst v63  }
0x65: {  	s0 =	smov.u32 s31;
	s31 =	sadd.s32 $0x600, s31;
	_ =	swait.ge [sflag:s25], $0x1000  }
0x66: {  	s0 =	sshra.s32 s0, $0x2;
	p1 =	sne.s32 s31, $0x9600;
	[sflag:s25] =	ssyncset.done $0x0  }
0x67: {  	s21 =	sadd.s32 $0x300, s0;
	[sflag:s25] =	ssyncadd.s32 $0xFFFFF000  }
0x68: {  	[tilespmem:s19], [sflag:$0x1] =	stream.indirect.gather [spmem:s2], $0x20, s21, s18, $0xb8;
	[tilespmem:$0x11E20] =	vst v63  }
0x69: {  	_ =	swait.ge [sflag:s28], $0x1000  }
0x6a: {  	[sflag:s28] =	ssyncset.done $0x0  }
0x6b: {  	s21 =	sadd.s32 $0x2B00, s0;
	[sflag:s28] =	ssyncadd.s32 $0xFFFFF000  }
0x6c: {  	[spmem:s3] =	stream.indirect.scatter.add.f32 [tilespmem:s22], [sflag:$0x6], $0x20, s21, s18, $0xb8;
	[tilespmem:$0x11E20] =	vst v63  }
0x6d: {  	_ =	swait.ge [sflag:s30], $0x1000  }
0x6e: {  	[sflag:s30] =	ssyncset.done $0x0  }
0x6f: {  	s21 =	sadd.s32 $0x380, s0;
	[sflag:s30] =	ssyncadd.s32 $0xFFFFF000  }
0x70: {  	[tilespmem:s20], [sflag:$0x2] =	stream.indirect.gather [spmem:s2], $0x20, s21, s18, $0xb8;
	[tilespmem:$0x11E20] =	vst v63  }
0x71: {  	_ =	swait.ge [sflag:s17], $0x1000  }
0x72: {  	[sflag:s17] =	ssyncset.done $0x0  }
0x73: {  	s21 =	sadd.s32 $0x2B80, s0;
	[sflag:s17] =	ssyncadd.s32 $0xFFFFF000  }
0x74: {  	[spmem:s3] =	stream.indirect.scatter.add.f32 [tilespmem:s19], [sflag:$0x4], $0x20, s21, s18, $0xb8;
	[tilespmem:$0x11E20] =	vst v63  }
0x75: {  	_ =	swait.ge [sflag:s1], $0x1000  }
0x76: {  	[sflag:s1] =	ssyncset.done $0x0  }
.Ltmp0:
0x77: {  	s21 =	sadd.s32 $0x400, s0;
	[sflag:s1] =	ssyncadd.s32 $0xFFFFF000;
	(pc) =	sbr.rel @p1 .LBB2_2-.Ltmp0, $4  }
0x78: {  	[tilespmem:s22], [sflag:$0x3] =	stream.indirect.gather [spmem:s2], $0x20, s21, s18, $0xb8;
	[tilespmem:$0x11E20] =	vst v63  }
0x79: {  	_ =	swait.ge [sflag:s23], $0x1000  }
0x7a: {  	[sflag:s23] =	ssyncset.done $0x0  }
0x7b: {  	s0 =	sadd.s32 $0x2C00, s0;
	[sflag:s23] =	ssyncadd.s32 $0xFFFFF000  }
0x7c: {  	[spmem:s3] =	stream.indirect.scatter.add.f32 [tilespmem:s20], [sflag:$0x5], $0x20, s0, s18, $0xb8;
	[tilespmem:$0x11E20] =	vst v63  }
0x7d: {  	_ =	swait.ge [sflag:s28], $0x1000  }
0x7e: {  	s21 =	sshra.s32 s31, $0x2;
	[sflag:s28] =	ssyncset.done $0x0  }
0x7f: {  	s0 =	sadd.s32 $0x2B00, s21;
	[sflag:s28] =	ssyncadd.s32 $0xFFFFF000  }
0x80: {  	[spmem:s3] =	stream.indirect.scatter.add.f32 [tilespmem:s22], [sflag:$0x6], $0x20, s0, s18, $0xb8;
	[tilespmem:$0x11E20] =	vst v63  }
0x81: {  	_ =	swait.ge [sflag:s25], $0x1000  }
0x82: {  	[sflag:s25] =	ssyncset.done $0x0  }
0x83: {  	[sflag:s25] =	ssyncadd.s32 $0xFFFFF000  }
0x84: {  	_ =	swait.ge [sflag:s30], $0x1000  }
0x85: {  	[sflag:s30] =	ssyncset.done $0x0  }
0x86: {  	[sflag:s30] =	ssyncadd.s32 $0xFFFFF000  }
0x87: {  	_ =	swait.ge [sflag:s1], $0x1000  }
0x88: {  	s29 =	sadd.s32 $0x1, s29;
	[sflag:s1] =	ssyncset.done $0x0  }
0x89: {  	p1 =	sne.s32 s29, s10;
	[sflag:s1] =	ssyncadd.s32 $0xFFFFF000  }
.Ltmp1:
0x8a: {  	s31 =	sor.u32 $0x1C07, s12;
	[bflag:$0x0] =	sbarrier.arrive $0xFFFF;
	(pc) =	sbr.rel @p1 .LBB2_1-.Ltmp1, $4  }
0x8b: {  	[hbm:s9], [sflag:s31] =	dma.local [spmem:s15], $0x9E0  }
0x8c: {  	_ =	swait.ge [sflag:s26], $0x9E0  }
0x8d: {  	[sflag:s26] =	ssyncset.done $0x0  }
0x8e: {  	[sflag:s26] =	ssyncadd.s32 $0xFFFFF620  }
0x8f: {  	_ =	sfence.sel $0x180000  }
0x90: {  	[bflag:$0x0] =	sbarrier.arrive $0xFFFF  }
0x91: {  	_ =	strace $0x9000004D  }
0x92: {  	s0 =	stileid.u32;
	[bflag:$0x2] =	sbarrier.arrive $0xFFFF  }
0x93: {  	p0 =	sne.s32 s0, $0x0;
	s0 =	rddreg [dreg:$0x4]  }
0x94: {  	s0 =	sadd.s32 @!p0 $0x100000, s0  }
0x95: {  	[sflag:s0] =	ssyncadd.tile.s32 @!p0 $0x1;
	_ =	shalt  }
.Lfunc_end2:
_tile_overlayer_lowered:
.L_overlay_start_2:
0x96: {  	(tag) =	ssettag $0x2  }
0x97: {  	s0 =	rddreg [dreg:$0x0];
	s2 =	stileid.u32  }
0x98: {  	s1 =	rddreg [dreg:$0x1];
	p0 =	sne.s32 s2, $0x0  }
0x99: {  	s3 =	rddreg [dreg:$0x2];
	[bflag:$0x3] =	sbarrier.arrive $0xFFFF;
	s2 =	simm.s32 @!p0 $0x1C07  }
0x9a: {  	[timem:s3], [sflag:s2] =	dma.local @!p0 [hbm:s0], s1  }
0x9b: {  	s0 =	simm.s32 @!p0 $0x7  }
0x9c: {  	_ =	swait.ge @!p0 [sflag:s0], s1  }
0x9d: {  	s1 =	ssub.s32 @!p0 $0x0, s1;
	[sflag:s0] =	ssyncset.done @!p0 $0x0  }
0x9e: {  	[sflag:s0] =	ssyncadd.s32 @!p0 s1  }
0x9f: {  	[bflag:$0x3] =	sbarrier.arrive $0xFFFF  }
0xa0: {  	_ =	shalt  }

// kernel: kernel.8.cloned.1.call-start
scs
__scs_entry_jumppad:
0x0: {  	(pc) =	sbr.rel $0x88, $3  }
0x1: {  	(tag) =	ssettag $0x0;
	lr =	simm.s32 $0x1  }
0x2: {  	[smem:$0x3F9B] =	sst lr;
	_ =	strace $0xD0000000  }
0x3: {  	_ = 	snop  }
0x4: {  	_ = 	snop  }
0x5: {  	_ = 	snop  }
0x6: {  	_ = 	snop  }
0x7: {  	_ = 	snop  }
__scs_overlays_trampoline_lowered:
0x8: {  	[smem:$0x3FAA] =	sst s0  }
0x9: {  	[smem:$0x3FAB] =	sst s1  }
0xa: {  	[smem:$0x3FAC] =	sst s2  }
0xb: {  	[smem:$0x3FAD] =	sst s3  }
0xc: {  	[smem:$0x3FAE] =	sst s4  }
0xd: {  	[smem:$0x3FAF] =	sst s5  }
0xe: {  	[smem:$0x3FB0] =	sst s6  }
0xf: {  	[smem:$0x3FB1] =	sst s7  }
0x10: {  	[smem:$0x3FB2] =	sst s8  }
0x11: {  	[smem:$0x3FB3] =	sst s9;
	s0 =	simm.s32 @!p0 $0x0  }
0x12: {  	s1 =	sld [smem:$0x3F99];
	s0 =	simm.s32 @p0 $0x1  }
0x13: {  	[smem:$0x3FB4] =	sst s0;
	s0 =	simm.s32 @!p1 $0x0  }
0x14: {  	s2 =	sld [smem:$0x3F98];
	s0 =	simm.s32 @p1 $0x1  }
0x15: {  	[smem:$0x3FB5] =	sst s0;
	s0 =	simm.s32 @!p2 $0x0  }
0x16: {  	s3 =	sld [smem:$0x3FDB];
	s0 =	simm.s32 @p2 $0x1  }
0x17: {  	s4 =	simm.s32 $0x1BF5;
	[smem:$0x3FB7] =	sst s0  }
0x18: {  	s0 =	sld [smem:$0x3F9A];
	_ =	swait.ge [sflag:s4], $0x0  }
0x19: {  	s7 =	sld [smem:$0x3F9B]  }
0x1a: {  	s8 =	sadd.s32 $0xFFFFE003, lr  }
0x1b: {  	s9 =	sadd.s32 $0xFFFFFEF7, lr;
	s5 =	simm.s32 $0xFFFFFFFF;
	p2 =	slt.u32 s8, $0xFFFFF086  }
0x1c: {  	p1 =	slt.u32 s9, $0xF7A;
	s5 =	simm.s32 @!p2 $0x0  }
0x1d: {  	s5 =	simm.s32 @p1 $0x1;
	p0 =	seq.s32 s7, s2  }
0x1e: {  	s7 =	smul.u32 @!p0 $0xF7A, s2;
	p2 =	seq.s32 @!p0 s5, $0x0  }
0x1f: {  	s9 =	smul.u32 $0xF7A, s1;
	s8 =	simm.s32 @!p0 $0x1BF5;
	p2 =	por !p2, p0  }
0x20: {  	[sflag:s8] =	ssyncset.s32 @!p0 $0xFFFFF086;
	s6 =	sadd.s32 @!p0 s3, s7;
	s7 =	simm.s32 @!p0 $0x108  }
0x21: {  	s3 =	sadd.s32 s3, s9;
	s6 =	sadd.s32 @!p0 $0x88, s6;
	s7 =	simm.s32 @p2 $0x1082  }
0x22: {  	[simem:s7], [sflag:s8] =	dma.local @!p0 [hbm:s6], $0xF7A  }
0x23: {  	s9 =	sor.u32 $0xD0000000, s2;
	s6 =	simm.s32 $0x108;
	_ =	swait.ge @!p0 [sflag:s8], $0x0  }
0x24: {  	s3 =	sadd.s32 $0x88, s3;
	s6 =	simm.s32 @!p1 $0x1082;
	[sflag:s4] =	ssyncset.s32 $0xFFFFF086  }
0x25: {  	[simem:s6], [sflag:s4] =	dma.local [hbm:s3], $0xF7A  }
0x26: {  	[smem:$0x3F9B] =	sst s1;
	(tag) =	ssettag s2;
	_ =	strace s9  }
0x27: {  	s1 =	sld [smem:$0x3FAB]  }
0x28: {  	s2 =	sld [smem:$0x3FAC]  }
0x29: {  	s4 =	sld [smem:$0x3FAE]  }
0x2a: {  	p0 =	seq.s32 s5, $0x0;
	s5 =	sld [smem:$0x3FAF]  }
0x2b: {  	s6 =	sld [smem:$0x3FB0]  }
0x2c: {  	s7 =	sld [smem:$0x3FB1]  }
0x2d: {  	s3 =	simm.s32 $0x108;
	s8 =	sld [smem:$0x3FB2]  }
0x2e: {  	s3 =	simm.s32 @!p0 $0x1082;
	s9 =	sld [smem:$0x3FB3]  }
0x2f: {  	lr =	sadd.s32 s0, s3;
	s0 =	sld [smem:$0x3FAA]  }
0x30: {  	s3 =	sld [smem:$0x3FAD]  }
0x31: {  	[smem:$0x3FB6] =	sst s10  }
0x32: {  	s10 =	sld [smem:$0x3FB4];
	_ =	sdelay $0x3  }
0x33: {  	p0 =	seq.s32 s10, $0x1;
	s10 =	sld [smem:$0x3FB6];
	_ =	sdelay $0x3  }
0x34: {  	[smem:$0x3FB6] =	sst s10  }
0x35: {  	s10 =	sld [smem:$0x3FB5];
	_ =	sdelay $0x3  }
0x36: {  	p1 =	seq.s32 s10, $0x1;
	s10 =	sld [smem:$0x3FB6];
	_ =	sdelay $0x3  }
0x37: {  	[smem:$0x3FB6] =	sst s10  }
0x38: {  	s10 =	sld [smem:$0x3FB7]  }
0x39: {  	_ = 	snop;
	(pc) =	sbr.ind lr, $3  }
0x3a: {  	_ = 	snop  }
0x3b: {  	_ = 	snop  }
0x3c: {  	p2 =	seq.s32 s10, $0x1;
	s10 =	sld [smem:$0x3FB6]  }
0x3d: {  	_ =	shalt  }
0x3e: {  	_ =	shalt  }
0x3f: {  	_ =	shalt  }
0x40: {  	_ =	shalt  }
0x41: {  	_ =	shalt  }
0x42: {  	_ =	shalt  }
0x43: {  	_ =	shalt  }
0x44: {  	_ =	shalt  }
0x45: {  	_ =	shalt  }
0x46: {  	_ =	shalt  }
0x47: {  	_ =	shalt  }
0x48: {  	_ =	shalt  }
0x49: {  	_ =	shalt  }
0x4a: {  	_ =	shalt  }
0x4b: {  	_ =	shalt  }
0x4c: {  	_ =	shalt  }
0x4d: {  	_ =	shalt  }
0x4e: {  	_ =	shalt  }
0x4f: {  	_ =	shalt  }
0x50: {  	_ =	shalt  }
0x51: {  	_ =	shalt  }
0x52: {  	_ =	shalt  }
0x53: {  	_ =	shalt  }
0x54: {  	_ =	shalt  }
0x55: {  	_ =	shalt  }
0x56: {  	_ =	shalt  }
0x57: {  	_ =	shalt  }
0x58: {  	_ =	shalt  }
0x59: {  	_ =	shalt  }
0x5a: {  	_ =	shalt  }
0x5b: {  	_ =	shalt  }
0x5c: {  	_ =	shalt  }
0x5d: {  	_ =	shalt  }
0x5e: {  	_ =	shalt  }
0x5f: {  	_ =	shalt  }
0x60: {  	_ =	shalt  }
0x61: {  	_ =	shalt  }
0x62: {  	_ =	shalt  }
0x63: {  	_ =	shalt  }
0x64: {  	_ =	shalt  }
0x65: {  	_ =	shalt  }
0x66: {  	_ =	shalt  }
0x67: {  	_ =	shalt  }
0x68: {  	_ =	shalt  }
0x69: {  	_ =	shalt  }
0x6a: {  	_ =	shalt  }
0x6b: {  	_ =	shalt  }
0x6c: {  	_ =	shalt  }
0x6d: {  	_ =	shalt  }
0x6e: {  	_ =	shalt  }
0x6f: {  	_ =	shalt  }
0x70: {  	_ =	shalt  }
0x71: {  	_ =	shalt  }
0x72: {  	_ =	shalt  }
0x73: {  	_ =	shalt  }
0x74: {  	_ =	shalt  }
0x75: {  	_ =	shalt  }
0x76: {  	_ =	shalt  }
0x77: {  	_ =	shalt  }
0x78: {  	_ =	shalt  }
0x79: {  	_ =	shalt  }
0x7a: {  	_ =	shalt  }
0x7b: {  	_ =	shalt  }
0x7c: {  	_ =	shalt  }
0x7d: {  	_ =	shalt  }
0x7e: {  	_ =	shalt  }
0x7f: {  	_ =	shalt  }
0x80: {  	_ =	shalt  }
0x81: {  	_ =	shalt  }
0x82: {  	_ =	shalt  }
0x83: {  	_ =	shalt  }
0x84: {  	_ =	shalt  }
0x85: {  	_ =	shalt  }
0x86: {  	_ =	shalt  }
0x87: {  	_ =	shalt  }
.Lfunc_end0:
.L_simem_size_0:
called_computation_lowered:
.L_overlay_start_0:
0x88: {  	s2 =	sld [smem:$0x3FD9]  }
0x89: {  	s3 =	sld [smem:$0x3FFE];
	_ =	sdelay $0x1  }
0x8a: {  	s1 =	srdreg.scid  }
0x8b: {  	s0 =	sand.u32 $0x1, s1  }
0x8c: {  	s17 =	sshll.u32 s0, $0xA;
	s2 =	sadd.s32 s3, s2  }
0x8d: {  	s2 =	sadd.s32 s2, s17  }
0x8e: {  	[smem:$0x3FC2] =	sst s2  }
0x8f: {  	_ = 	snop  }
0x90: {  	s2 =	sld [smem:$0x3FD0];
	(tm) =	ssettm $0x1  }
0x91: {  	s18 =	sld [smem:$0x3FFB];
	_ =	sdelay $0x3  }
0x92: {  	_ =	strace s18  }
0x93: {  	s3 =	sld [smem:$0x3FFC];
	_ =	sdelay $0x3  }
0x94: {  	_ =	strace s3  }
0x95: {  	s3 =	sld [smem:$0x3FFD];
	_ =	sdelay $0x3  }
0x96: {  	_ =	strace s3  }
0x97: {  	_ =	strace $0x8FFFFFFF  }
0x98: {  	s19 =	sld [smem:$0x3FDB];
	_ =	sdelay $0x1  }
0x99: {  	s4 =	simm.s32 $_scs_section_size  }
0x9a: {  	s5 =	simm.s32 $_size__tile_overlayer_lowered;
	s6 =	simm.s32 $_tile_overlayer_lowered  }
0x9b: {  	s22 =	simm.s32 $0x1BFF;
	s21 =	sshll.u32 s6, $0x1;
	s3 =	sadd.s32 s4, s19  }
0x9c: {  	s7 =	simm.s32 $0x0;
	s20 =	sshll.u32 s5, $0x1;
	s5 =	sadd.s32 s21, s3  }
0x9d: {  	[timem:s7], [sflag:s22] =	dma.local [hbm:s5], s20  }
0x9e: {  	_ =	swait.ge [sflag:s22], s20  }
0x9f: {  	s4 =	ssub.s32 $0x0, s20;
	[sflag:s22] =	ssyncset.done $0x0  }
0xa0: {  	[sflag:s22] =	ssyncadd.s32 s4;
	_ =	sdelay $0x1  }
0xa1: {  	s23 =	simm.s32 $0x1B8B  }
0xa2: {  	_ =	swait.ge [sflag:s23], $0x1  }
0xa3: {  	[sflag:s23] =	ssyncset.done $0x0  }
0xa4: {  	s25 =	simm.s32 $0x1B8E;
	s24 =	sld [smem:$0x3FFE];
	[sflag:s23] =	ssyncadd.s32 $0xFFFFFFFF  }
0xa5: {  	s26 =	simm.s32 $execute0_lowered;
	[smem:$0x3FD2] =	sst s25  }
0xa6: {  	s5 =	sshll.u32 s26, $0x1;
	_ =	strace $0x80000046;
	[dreg:$0x1] =	wrdreg $0xFFFFFFFF  }
0xa7: {  	s28 =	simm.s32 $_size_execute0_lowered;
	s3 =	sadd.s32 s3, s5;
	[dreg:$0x0] =	wrdreg $0x0  }
0xa8: {  	s5 =	sshll.u32 s28, $0x1;
	[dreg:$0x2] =	wrdreg s3  }
0xa9: {  	[dreg:$0x3] =	wrdreg s5  }
0xaa: {  	[dreg:$0x4] =	wrdreg $0xC0  }
0xab: {  	_ =	task [dreg:s7], $0x5FFFF  }
0xac: {  	[dreg:$0x1] =	wrdreg $0xFFFFFFFF  }
0xad: {  	[dreg:$0x0] =	wrdreg $0x60  }
0xae: {  	[dreg:$0x2] =	wrdreg s24  }
0xaf: {  	[dreg:$0x3] =	wrdreg s2  }
0xb0: {  	[dreg:$0x4] =	wrdreg $0x29000  }
0xb1: {  	[dreg:$0x5] =	wrdreg $0x9  }
0xb2: {  	_ =	task.clear_ibuf [dreg:s7], $0x6FFFF;
	_ =	strace $0x90000046  }
0xb3: {  	s29 =	simm.s32 $0x9;
	_ =	strace $0x80000048  }
0xb4: {  	_ =	swait.ge [sflag:s29], $0x1  }
0xb5: {  	[sflag:s29] =	ssyncadd.s32 $0xFFFFFFFF  }
0xb6: {  	_ =	strace $0x90000048  }
0xb7: {  	_ =	sfence  }
0xb8: {  	s30 =	sld [smem:$0x0];
	_ =	sdelay $0x2  }
0xb9: {  	s31 =	sshll.u32 s1, $0xD;
	s1 =	sshrl.u32 s1, $0x2  }
0xba: {  	s3 =	sand.u32 $0x4000, s31;
	s1 =	sadd.s32 s1, s30  }
0xbb: {  	s0 =	sor.u32 s3, s0;
	s1 =	sshll.u32 s1, $0x11  }
0xbc: {  	s0 =	sor.u32 s1, s0  }
0xbd: {  	s0 =	sadd.s32 $0x8F2B, s0  }
0xbe: {  	[sflag:s0] =	ssyncadd.remote.s32 $0x1  }
0xbf: {  	_ =	sfence.sel $0xFFFF  }
0xc0: {  	[dreg:$0x0] =	wrdreg $0xFFFFFFFF;
	(pc) =	sbr.abs _section_cstart, $3  }
0xc1: {  	[dreg:$0x1] =	wrdreg $0xFFFFFFFF  }
0xc2: {  	_ =	task.clear_ibuf [dreg:s7], $0x2FFFF;
	_ =	strace $0x9FFFFFFF  }
0xc3: {  	(tm) =	ssettm $0x7FFFFFFF  }
tec
execute0_lowered:
.L_overlay_start_1:
0x0: {  	(tag) =	ssettag $0x1  }
0x1: {  	s5 =	rddreg [dreg:$0x0]  }
0x2: {  	s0 =	srdreg.scid;
	s8 =	rddreg [dreg:$0x1]  }
0x3: {  	s2 =	rddreg [dreg:$0x2];
	s1 =	stileid.u32  }
0x4: {  	s3 =	simm.s32 $0x0;
	s13 =	simm.s32 $0x80;
	s15 =	simm.s32 $0x2  }
0x5: {  	s16 =	simm.s32 $0x0;
	s6 =	sand.u32 $0x1, s0;
	s0 =	rddreg [dreg:$0x3]  }
0x6: {  	[smem:$0x7FF] =	sst s3;
	s7 =	smul.u32 $0x278, s1;
	s14 =	sshll.u32 s1, $0x6  }
0x7: {  	s4 =	sshll.u32 s6, $0x4;
	_ =	strace $0x80000047;
	s10 =	ssub.s32 $0x2, s6  }
0x8: {  	s6 =	smul.u32 $0x2780, s6;
	s4 =	sor.u32 s1, s4;
	s11 =	sshrl.u32 s7, $0x3  }
0x9: {  	s12 =	sshrl.u32 s10, $0x1;
	s29 =	sadd.s32 s7, s2;
	s4 =	smul.u32 $0x510, s4  }
0xa: {  	s10 =	ssub.s32 s10, s12;
	s30 =	sadd.s32 s7, s6;
	s6 =	sor.u32 $0x1C01, s14  }
0xb: {  	s12 =	simm.s32 $0x1;
	s14 =	sor.u32 $0x1C02, s14;
	s31 =	sshrl.u32 s30, $0x3  }
0xc: {  	s9 =	sadd.s32 s4, s5;
	s4 =	sadd.s32 $0xBE00, s5;
	s5 =	sadd.s32 s11, s5  }
0xd: {  	s8 =	sadd.s32 s8, s31;
	s11 =	sshrl.u32 s29, $0x3;
	s5 =	sadd.s32 $0xB800, s5  }
0xe: {  	s7 =	sadd.s32 $0x1600, s9;
	s9 =	smax.u32 s10, $0x1;
	s10 =	simm.s32 $0x2880  }
.LBB2_1:
0xf: {  	[tilespmem:s10], [sflag:$0x1] =	stream.linear.gather [hbm4b:s4+s3], $0x80, $0x38;
	[tilespmem:$0x2B78] =	vst v63  }
0x10: {  	[spmem:s11], [sflag:s6] =	dma.local [hbm:s5], $0x4F  }
0x11: {  	[tilespmem:s3], [sflag:$0x1] =	stream.linear.gather [hbm4b:s7+s3], $0x2880, $0x38;
	[tilespmem:$0x2B78] =	vst v63  }
0x12: {  	_ =	swait.ge [sflag:s12], $0x80  }
0x13: {  	[sflag:s12] =	ssyncset.done $0x0  }
0x14: {  	[sflag:s12] =	ssyncadd.s32 $0xFFFFFF80  }
0x15: {  	_ =	swait.ge [sflag:s12], $0x4F  }
0x16: {  	[sflag:s12] =	ssyncset.done $0x0  }
0x17: {  	[sflag:s12] =	ssyncadd.s32 $0xFFFFFFB1  }
0x18: {  	_ =	swait.ge [sflag:s12], $0x2880  }
0x19: {  	[sflag:s12] =	ssyncset.done $0x0  }
0x1a: {  	[sflag:s12] =	ssyncadd.s32 $0xFFFFD780  }
0x1b: {  	s17 =	simm.s32 $0x0;
	[bflag:$0x0] =	sbarrier.arrive $0xFFFF  }
.LBB2_2:
0x1c: {  	p0 =	sne.s32 s17, $0xA000  }
.Ltmp0:
0x1d: {  	_ = 	snop;
	(pc) =	sbr.rel @p0 .LBB2_2-.Ltmp0, $3  }
0x1e: {  	_ =	sdelay $0x1  }
0x1f: {  	s18 =	sshra.s32 s17, $0x2;
	s17 =	sadd.s32 $0x200, s17  }
0x20: {  	[spmem:s2] =	stream.indirect.scatter.add.f32 [tilespmem:s10], [sflag:$0x1], $0x1, s18, s13, $0xb8;
	[tilespmem:$0x2B78] =	vst v63  }
0x21: {  	_ =	swait.ge [sflag:s12], $0x80  }
0x22: {  	s17 =	simm.s32 $0x50;
	[sflag:s12] =	ssyncset.done $0x0  }
.LBB2_4:
0x23: {  	p0 =	sne.s32 s17, $0x1;
	s17 =	sadd.s32 $0xFFFFFFFF, s17;
	[sflag:s12] =	ssyncadd.s32 $0xFFFFFF80  }
.Ltmp1:
0x24: {  	(pc) =	sbr.rel @p0 .LBB2_4-.Ltmp1, $3  }
0x25: {  	_ =	sdelay $0x1  }
0x26: {  	_ =	swait.ge [sflag:s12], $0x80  }
0x27: {  	[sflag:s12] =	ssyncset.done $0x0  }
0x28: {  	s16 =	sadd.s32 $0x1, s16  }
0x29: {  	[sflag:s12] =	ssyncadd.s32 $0xFFFFFF80;
	p0 =	sne.s32 s16, s9  }
.Ltmp2:
0x2a: {  	[bflag:$0x0] =	sbarrier.arrive $0xFFFF;
	(pc) =	sbr.rel @p0 .LBB2_1-.Ltmp2, $4  }
0x2b: {  	[hbm:s8], [sflag:s14] =	dma.local [spmem:s11], $0x4F  }
0x2c: {  	_ =	swait.ge [sflag:s15], $0x4F  }
0x2d: {  	[sflag:s15] =	ssyncset.done $0x0  }
0x2e: {  	[sflag:s15] =	ssyncadd.s32 $0xFFFFFFB1  }
0x2f: {  	_ =	sfence.sel $0x180000  }
0x30: {  	[bflag:$0x0] =	sbarrier.arrive $0xFFFF  }
0x31: {  	p0 =	sne.s32 s1, $0x0;
	_ =	strace $0x90000047  }
0x32: {  	s0 =	sadd.s32 @!p0 $0x100000, s0;
	[bflag:$0x2] =	sbarrier.arrive $0xFFFF  }
0x33: {  	[sflag:s0] =	ssyncadd.tile.s32 @!p0 $0x1;
	_ =	shalt  }
.Lfunc_end2:
_tile_overlayer_lowered:
.L_overlay_start_2:
0x34: {  	(tag) =	ssettag $0x2  }
0x35: {  	s0 =	rddreg [dreg:$0x0];
	s2 =	stileid.u32  }
0x36: {  	s1 =	rddreg [dreg:$0x1];
	p0 =	sne.s32 s2, $0x0  }
0x37: {  	s3 =	rddreg [dreg:$0x2];
	[bflag:$0x3] =	sbarrier.arrive $0xFFFF;
	s2 =	simm.s32 @!p0 $0x1C02  }
0x38: {  	[timem:s3], [sflag:s2] =	dma.local @!p0 [hbm:s0], s1  }
0x39: {  	s0 =	simm.s32 @!p0 $0x2  }
0x3a: {  	_ =	swait.ge @!p0 [sflag:s0], s1  }
0x3b: {  	s1 =	ssub.s32 @!p0 $0x0, s1;
	[sflag:s0] =	ssyncset.done @!p0 $0x0  }
0x3c: {  	[sflag:s0] =	ssyncadd.s32 @!p0 s1  }
0x3d: {  	[bflag:$0x3] =	sbarrier.arrive $0xFFFF  }
0x3e: {  	_ =	shalt  }

</sc_bundles>
